<compile_context>
chip_gen: v7x
topology: tpu7x:2x2x1
jax: 0.10.2.dev20260603
libtpu: 0.0.44.dev20260713+nightly
codegen_flags: <defaults>
</compile_context>

<pallas_src>
import functools

import jax
import jax.numpy as jnp
import numpy as np
from jax import lax
from jax.experimental import pallas as pl
from jax.experimental.pallas import tpu as pltpu
from jax.experimental.pallas import tpu_sc as plsc

N_BINS = 256
HIDDEN = 256
PITCH_MIN = np.float32(50.0)
INV_RANGE = np.float32(1.0) / np.float32(350.0)

NC, NS, LANES = 2, 16, 16
NW = NC * NS

B = 4096 * 200
B_PER_W = B // NW
CHUNK = 128
N_CHUNKS = B_PER_W // CHUNK
GROUPS = CHUNK // LANES


def _bins(pitch_c, bases_c):

    def bins_group(i, carry):
        p = pitch_c[pl.ds(i * LANES, LANES)]
        u = (p - PITCH_MIN) * INV_RANGE
        v = jnp.clip(u, 0.0, 1.0)
        b = (v * np.float32(N_BINS - 1)).astype(jnp.int32)
        bases_c[pl.ds(i * LANES, LANES)] = b * HIDDEN
        return carry

    lax.fori_loop(0, GROUPS, bins_group, 0)


def _body(pitch_hbm, table_hbm, out_hbm, table_v, pitch_c, bases_c, sem):
    wid = lax.axis_index("s") * NC + lax.axis_index("c")
    base = wid * B_PER_W
    sem_p, sem_w = sem

    pltpu.sync_copy(table_hbm, table_v)

    def start_pitch(j, buf):
        pltpu.make_async_copy(
            pitch_hbm.at[pl.ds(base + j * CHUNK, CHUNK)], buf, sem_p
        ).start()

    def wait_pitch():
        pltpu.make_async_copy(
            pitch_hbm.at[pl.ds(base, CHUNK)], pitch_c[0], sem_p
        ).wait()

    def wait_chunk():
        pltpu.make_async_copy(
            table_v.at[pl.ds(0, CHUNK * HIDDEN)],
            out_hbm.at[pl.ds(base * HIDDEN, CHUNK * HIDDEN)],
            sem_w,
        ).wait()

    start_pitch(0, pitch_c[0])
    start_pitch(1, pitch_c[1])

    def chunk_step(j, b):
        wait_pitch()
        _bins(pitch_c[b], bases_c)

        @pl.when(j + 2 < N_CHUNKS)
        def _():
            start_pitch(j + 2, pitch_c[b])

        @pl.when(j >= 1)
        def _():
            wait_chunk()

        def fire_group(g, carry):
            goff = g * LANES
            bvec = bases_c[pl.ds(goff, LANES)]
            row0 = pl.multiple_of((base + j * CHUNK + goff) * HIDDEN, HIDDEN)
            for r in range(LANES):
                s = pl.multiple_of(bvec[r], HIDDEN)
                pltpu.make_async_copy(
                    table_v.at[pl.ds(s, HIDDEN)],
                    out_hbm.at[pl.ds(row0 + r * HIDDEN, HIDDEN)],
                    sem_w,
                ).start()
            return carry

        lax.fori_loop(0, GROUPS, fire_group, 0)

    def outer(jo, carry):
        for b in range(2):
            chunk_step(jo * 2 + b, b)
        return carry

    lax.fori_loop(0, N_CHUNKS // 2, outer, 0)
    wait_chunk()


@functools.partial(
    pl.kernel,
    out_type=jax.ShapeDtypeStruct((B * HIDDEN,), jnp.float32),
    mesh=plsc.VectorSubcoreMesh(core_axis_name="c", subcore_axis_name="s"),
    compiler_params=pltpu.CompilerParams(needs_layout_passes=False),
    scratch_types=[
        pltpu.VMEM((N_BINS * HIDDEN,), jnp.float32),
        (pltpu.VMEM((CHUNK,), jnp.float32), pltpu.VMEM((CHUNK,), jnp.float32)),
        pltpu.VMEM((CHUNK,), jnp.int32),
        (pltpu.SemaphoreType.DMA, pltpu.SemaphoreType.DMA),
    ],
)
def _pitch_embed(pitch_hbm, table_hbm, out_hbm, table_v, pitch_c, bases_c, sem):
    _body(pitch_hbm, table_hbm, out_hbm, table_v, pitch_c, bases_c, sem)


def kernel(pitch, table):
    out = _pitch_embed(pitch.reshape(-1), table.reshape(-1))
    return out.reshape(*pitch.shape, HIDDEN)

# --- scband reference (transcript-rebuilt; emitter-appended) ---
"""Pipeline reference for scband-pitch-embedding-55052890800578 (READ-ONLY COPY).

The authoritative reference and input builder live on the scoring server;
editing this copy changes nothing except your own understanding.
"""

import jax, jax.numpy as jnp
import numpy as np

N_BINS = 256
HIDDEN_DIM = 256
PITCH_MIN = 50.0
PITCH_MAX = 400.0

def setup_inputs(seed: int = 0) -> dict:
    key = jax.random.key(seed)
    k1, k2 = jax.random.split(key)
    # pitch values in Hz: randint in [0, 400) cast to float32 (values < 50 clamp to bin 0, faithful to module semantics)
    pitch = jax.random.randint(k1, (4096, 200), 0, 400).astype(jnp.float32)
    # learned embedding table (n_bins, hidden_dim)
    table = jax.random.normal(k2, (N_BINS, HIDDEN_DIM), dtype=jnp.float32)
    return {"pitch": pitch, "table": table}

def reference(pitch, table):
    pitch_normalized = (pitch - PITCH_MIN) / (PITCH_MAX - PITCH_MIN)
    pitch_normalized = jnp.clip(pitch_normalized, 0.0, 1.0)
    pitch_bins = (pitch_normalized * (N_BINS - 1)).astype(jnp.int32)
    return jnp.take(table, pitch_bins, axis=0)

if __name__ == "__main__":
    import jax
    _d = setup_inputs()
    print(jax.jit(kernel)(*tuple(_d.values())))

</pallas_src>

<mosaic_0001>
#map = affine_map<(d0, d1) -> (0)>
module attributes {stable_mosaic.version = 14 : i64} {
  func.func @_pitch_embed(%arg0: i32, %arg1: i32, %arg2: memref<819200xf32, #tpu.memory_space<hbm>>, %arg3: memref<65536xf32, #tpu.memory_space<hbm>>, %arg4: memref<209715200xf32, #tpu.memory_space<hbm>>, %arg5: memref<65536xf32, #tpu.memory_space<vmem>>, %arg6: memref<128xf32, #tpu.memory_space<vmem>>, %arg7: memref<128xf32, #tpu.memory_space<vmem>>, %arg8: memref<128xi32, #tpu.memory_space<vmem>>, %arg9: memref<!tpu.dma_semaphore, #tpu.memory_space<semaphore_mem>>, %arg10: memref<!tpu.dma_semaphore, #tpu.memory_space<semaphore_mem>>) attributes {dimension_semantics = [#tpu.dimension_semantics<core_parallel>, #tpu.dimension_semantics<subcore_parallel>], iteration_bounds = array<i64: 2, 16>, scalar_prefetch = 0 : i64, scratch_operands = 6 : i64, tpu.core_type = #tpu.core_type<sc_vector_subcore>, window_params = [{transform_indices = #map}, {transform_indices = #map}, {transform_indices = #map}]} {
    %mul3A = arith.constant 2 : i32
    %mul3A_0 = arith.muli %arg1, %mul3A : i32
    %add3A = arith.addi %mul3A_0, %arg0 : i32
    %mul3A_1 = arith.constant 25600 : i32
    %mul3A_2 = arith.muli %add3A, %mul3A_1 : i32
    "tpu.region"() ({
      %run_scoped3A = tpu.sem_alloc : memref<!tpu.dma_semaphore, #tpu.memory_space<semaphore_mem>>
      tpu.enqueue_dma source(%arg3 : memref<65536xf32, #tpu.memory_space<hbm>>) target(%arg5 : memref<65536xf32, #tpu.memory_space<vmem>>) target_semaphore(%run_scoped3A : memref<!tpu.dma_semaphore, #tpu.memory_space<semaphore_mem>>)
      tpu.wait_dma2 semaphore(%run_scoped3A : memref<!tpu.dma_semaphore, #tpu.memory_space<semaphore_mem>>) src(%arg3 : memref<65536xf32, #tpu.memory_space<hbm>>) dst(%arg5 : memref<65536xf32, #tpu.memory_space<vmem>>)
      tpu.yield
    }) : () -> ()
    %add3A_3 = arith.constant 0 : i32
    %add3A_4 = arith.addi %mul3A_2, %add3A_3 : i32
    %dma_start3A = tpu.memref_slice %arg2[%add3A_4] : memref<819200xf32, #tpu.memory_space<hbm>> -> memref<128xf32, #tpu.memory_space<hbm>>
    %dma_start3A_5 = tpu.memref_slice %arg2[%add3A_4] : memref<819200xf32, #tpu.memory_space<hbm>> -> memref<128xf32, #tpu.memory_space<hbm>>
    tpu.enqueue_dma source(%dma_start3A_5 : memref<128xf32, #tpu.memory_space<hbm>>) target(%arg6 : memref<128xf32, #tpu.memory_space<vmem>>) target_semaphore(%arg9 : memref<!tpu.dma_semaphore, #tpu.memory_space<semaphore_mem>>)
    %add3A_6 = arith.constant 128 : i32
    %add3A_7 = arith.addi %mul3A_2, %add3A_6 : i32
    %dma_start3A_8 = tpu.memref_slice %arg2[%add3A_7] : memref<819200xf32, #tpu.memory_space<hbm>> -> memref<128xf32, #tpu.memory_space<hbm>>
    %dma_start3A_9 = tpu.memref_slice %arg2[%add3A_7] : memref<819200xf32, #tpu.memory_space<hbm>> -> memref<128xf32, #tpu.memory_space<hbm>>
    tpu.enqueue_dma source(%dma_start3A_9 : memref<128xf32, #tpu.memory_space<hbm>>) target(%arg7 : memref<128xf32, #tpu.memory_space<vmem>>) target_semaphore(%arg9 : memref<!tpu.dma_semaphore, #tpu.memory_space<semaphore_mem>>)
    %scan3A = arith.constant 0 : i32
    %scan3A_10 = arith.constant 0 : i32
    %scan3A_11 = arith.constant 100 : i32
    %scan3A_12 = arith.addi %scan3A_10, %scan3A_11 : i32
    %scan3A_13 = arith.constant 1 : i32
    scf.for %scan3A_22 = %scan3A_10 to %scan3A_12 step %scan3A_13  : i32 {
      %mul3A_23 = arith.constant 2 : i32
      %mul3A_24 = arith.muli %scan3A_22, %mul3A_23 : i32
      %add3A_25 = arith.constant 0 : i32
      %add3A_26 = arith.addi %mul3A_24, %add3A_25 : i32
      %dma_wait3A_27 = tpu.memref_slice %arg2[%mul3A_2] : memref<819200xf32, #tpu.memory_space<hbm>> -> memref<128xf32, #tpu.memory_space<hbm>>
      %dma_wait3A_28 = tpu.memref_slice %arg2[%mul3A_2] : memref<819200xf32, #tpu.memory_space<hbm>> -> memref<128xf32, #tpu.memory_space<hbm>>
      tpu.wait_dma2 semaphore(%arg9 : memref<!tpu.dma_semaphore, #tpu.memory_space<semaphore_mem>>) src(%dma_wait3A_28 : memref<128xf32, #tpu.memory_space<hbm>>) dst(%arg6 : memref<128xf32, #tpu.memory_space<vmem>>)
      %scan3A_29 = arith.constant 0 : i32
      %scan3A_30 = arith.constant 0 : i32
      %scan3A_31 = arith.constant 8 : i32
      %scan3A_32 = arith.addi %scan3A_30, %scan3A_31 : i32
      %scan3A_33 = arith.constant 1 : i32
      scf.for %scan3A_79 = %scan3A_30 to %scan3A_32 step %scan3A_33  : i32 {
        %mul3A_80 = arith.constant 16 : i32
        %mul3A_81 = arith.muli %scan3A_79, %mul3A_80 : i32
        %get3A = arith.index_cast %mul3A_81 : i32 to index
        %get3A_82 = tpu.vector_load %arg6[%get3A] {strides = array<i32>} : memref<128xf32, #tpu.memory_space<vmem>>, vector<16xf32>,
        %sub3A = arith.constant 5.000000e+01 : f32
        %sub3A_83 = vector.broadcast %sub3A : f32 to vector<16xf32>
        %sub3A_84 = arith.subf %get3A_82, %sub3A_83 : vector<16xf32>
        %mul3A_85 = arith.constant 0.00285714283 : f32
        %mul3A_86 = vector.broadcast %mul3A_85 : f32 to vector<16xf32>
        %mul3A_87 = arith.mulf %sub3A_84, %mul3A_86 : vector<16xf32>
        %jit3A = arith.constant 0.000000e+00 : f32
        %jit3A_88 = arith.constant 1.000000e+00 : f32
        %max3A = vector.broadcast %jit3A : f32 to vector<16xf32>
        %max3A_89 = arith.maximumf %max3A, %mul3A_87 : vector<16xf32>
        %min3A = vector.broadcast %jit3A_88 : f32 to vector<16xf32>
        %min3A_90 = arith.minimumf %min3A, %max3A_89 : vector<16xf32>
        %mul3A_91 = arith.constant 2.550000e+02 : f32
        %mul3A_92 = vector.broadcast %mul3A_91 : f32 to vector<16xf32>
        %mul3A_93 = arith.mulf %min3A_90, %mul3A_92 : vector<16xf32>
        %convert_element_type3A_94 = arith.fptosi %mul3A_93 : vector<16xf32> to vector<16xi32>
        %mul3A_95 = arith.constant 256 : i32
        %mul3A_96 = vector.broadcast %mul3A_95 : i32 to vector<16xi32>
        %mul3A_97 = arith.muli %convert_element_type3A_94, %mul3A_96 : vector<16xi32>
        %mul3A_98 = arith.constant 16 : i32
        %mul3A_99 = arith.muli %scan3A_79, %mul3A_98 : i32
        %swap3A = arith.index_cast %mul3A_99 : i32 to index
        %swap3A_100 = tpu.vector_load %arg8[%swap3A] {strides = array<i32>} : memref<128xi32, #tpu.memory_space<vmem>>, vector<16xi32>,
        tpu.vector_store %arg8[%swap3A], %mul3A_97 {strides = array<i32>} : memref<128xi32, #tpu.memory_space<vmem>>, vector<16xi32>,
      }
      %scan3A_34 = arith.constant 8 : i32
      %add3A_35 = arith.constant 2 : i32
      %add3A_36 = arith.addi %add3A_26, %add3A_35 : i32
      %lt3A = arith.constant 200 : i32
      %lt3A_37 = arith.cmpi slt, %add3A_36, %lt3A : i32
      %convert_element_type3A = arith.extui %lt3A_37 : i1 to i32
      %cond3A = arith.constant 0 : i32
      %cond3A_38 = arith.cmpi ne, %convert_element_type3A, %cond3A : i32
      scf.if %cond3A_38 {
        %add3A_79 = arith.constant 2 : i32
        %add3A_80 = arith.addi %add3A_26, %add3A_79 : i32
        %mul3A_81 = arith.constant 128 : i32
        %mul3A_82 = arith.muli %add3A_80, %mul3A_81 : i32
        %add3A_83 = arith.addi %mul3A_2, %mul3A_82 : i32
        %dma_start3A_84 = tpu.memref_slice %arg2[%add3A_83] : memref<819200xf32, #tpu.memory_space<hbm>> -> memref<128xf32, #tpu.memory_space<hbm>>
        %dma_start3A_85 = tpu.memref_slice %arg2[%add3A_83] : memref<819200xf32, #tpu.memory_space<hbm>> -> memref<128xf32, #tpu.memory_space<hbm>>
        tpu.enqueue_dma source(%dma_start3A_85 : memref<128xf32, #tpu.memory_space<hbm>>) target(%arg6 : memref<128xf32, #tpu.memory_space<vmem>>) target_semaphore(%arg9 : memref<!tpu.dma_semaphore, #tpu.memory_space<semaphore_mem>>)
      } else {
      }
      %ge3A = arith.constant 1 : i32
      %ge3A_39 = arith.cmpi sge, %add3A_26, %ge3A : i32
      %convert_element_type3A_40 = arith.extui %ge3A_39 : i1 to i32
      %cond3A_41 = arith.constant 0 : i32
      %cond3A_42 = arith.cmpi ne, %convert_element_type3A_40, %cond3A_41 : i32
      scf.if %cond3A_42 {
        %mul3A_79 = arith.constant 256 : i32
        %mul3A_80 = arith.muli %mul3A_2, %mul3A_79 : i32
        %dma_wait3A_81 = arith.constant 0 : i32
        %dma_wait3A_82 = tpu.memref_slice %arg5[%dma_wait3A_81] : memref<65536xf32, #tpu.memory_space<vmem>> -> memref<32768xf32, #tpu.memory_space<vmem>>
        %dma_wait3A_83 = tpu.memref_slice %arg4[%mul3A_80] : memref<209715200xf32, #tpu.memory_space<hbm>> -> memref<32768xf32, #tpu.memory_space<hbm>>
        %dma_wait3A_84 = tpu.memref_slice %arg4[%mul3A_80] : memref<209715200xf32, #tpu.memory_space<hbm>> -> memref<32768xf32, #tpu.memory_space<hbm>>
        %dma_wait3A_85 = arith.constant 0 : i32
        %dma_wait3A_86 = tpu.memref_slice %arg5[%dma_wait3A_85] : memref<65536xf32, #tpu.memory_space<vmem>> -> memref<32768xf32, #tpu.memory_space<vmem>>
        tpu.wait_dma2 semaphore(%arg10 : memref<!tpu.dma_semaphore, #tpu.memory_space<semaphore_mem>>) src(%dma_wait3A_86 : memref<32768xf32, #tpu.memory_space<vmem>>) dst(%dma_wait3A_84 : memref<32768xf32, #tpu.memory_space<hbm>>)
      } else {
      }
      %scan3A_43 = arith.constant 0 : i32
      %scan3A_44 = arith.constant 0 : i32
      %scan3A_45 = arith.constant 8 : i32
      %scan3A_46 = arith.addi %scan3A_44, %scan3A_45 : i32
      %scan3A_47 = arith.constant 1 : i32
      scf.for %scan3A_79 = %scan3A_44 to %scan3A_46 step %scan3A_47  : i32 {
        %mul3A_80 = arith.constant 16 : i32
        %mul3A_81 = arith.muli %scan3A_79, %mul3A_80 : i32
        %get3A = arith.index_cast %mul3A_81 : i32 to index
        %get3A_82 = tpu.vector_load %arg8[%get3A] {strides = array<i32>} : memref<128xi32, #tpu.memory_space<vmem>>, vector<16xi32>,
        %mul3A_83 = arith.constant 128 : i32
        %mul3A_84 = arith.muli %add3A_26, %mul3A_83 : i32
        %add3A_85 = arith.addi %mul3A_2, %mul3A_84 : i32
        %add3A_86 = arith.addi %add3A_85, %mul3A_81 : i32
        %mul3A_87 = arith.constant 256 : i32
        %mul3A_88 = arith.muli %add3A_86, %mul3A_87 : i32
        %multiple_of3A = tpu.assume_multiple %mul3A_88, 256 : i32
        %slice3A = vector.extract_strided_slice %get3A_82 {offsets = [0], sizes = [1], strides = [1]} : vector<16xi32> to vector<1xi32>
        %squeeze3A = vector.extract %slice3A[0] : i32 from vector<1xi32>
        %multiple_of3A_89 = tpu.assume_multiple %squeeze3A, 256 : i32
        %add3A_90 = arith.constant 0 : i32
        %add3A_91 = arith.addi %multiple_of3A, %add3A_90 : i32
        %dma_start3A_92 = tpu.memref_slice %arg5[%multiple_of3A_89] : memref<65536xf32, #tpu.memory_space<vmem>> -> memref<256xf32, #tpu.memory_space<vmem>>
        %dma_start3A_93 = tpu.memref_slice %arg4[%add3A_91] : memref<209715200xf32, #tpu.memory_space<hbm>> -> memref<256xf32, #tpu.memory_space<hbm>>
        %dma_start3A_94 = tpu.memref_slice %arg4[%add3A_91] : memref<209715200xf32, #tpu.memory_space<hbm>> -> memref<256xf32, #tpu.memory_space<hbm>>
        %dma_start3A_95 = tpu.memref_slice %arg5[%multiple_of3A_89] : memref<65536xf32, #tpu.memory_space<vmem>> -> memref<256xf32, #tpu.memory_space<vmem>>
        tpu.enqueue_dma source(%dma_start3A_95 : memref<256xf32, #tpu.memory_space<vmem>>) target(%dma_start3A_94 : memref<256xf32, #tpu.memory_space<hbm>>) target_semaphore(%arg10 : memref<!tpu.dma_semaphore, #tpu.memory_space<semaphore_mem>>)
        %slice3A_96 = vector.extract_strided_slice %get3A_82 {offsets = [1], sizes = [1], strides = [1]} : vector<16xi32> to vector<1xi32>
        %squeeze3A_97 = vector.extract %slice3A_96[0] : i32 from vector<1xi32>
        %multiple_of3A_98 = tpu.assume_multiple %squeeze3A_97, 256 : i32
        %add3A_99 = arith.constant 256 : i32
        %add3A_100 = arith.addi %multiple_of3A, %add3A_99 : i32
        %dma_start3A_101 = tpu.memref_slice %arg5[%multiple_of3A_98] : memref<65536xf32, #tpu.memory_space<vmem>> -> memref<256xf32, #tpu.memory_space<vmem>>
        %dma_start3A_102 = tpu.memref_slice %arg4[%add3A_100] : memref<209715200xf32, #tpu.memory_space<hbm>> -> memref<256xf32, #tpu.memory_space<hbm>>
        %dma_start3A_103 = tpu.memref_slice %arg4[%add3A_100] : memref<209715200xf32, #tpu.memory_space<hbm>> -> memref<256xf32, #tpu.memory_space<hbm>>
        %dma_start3A_104 = tpu.memref_slice %arg5[%multiple_of3A_98] : memref<65536xf32, #tpu.memory_space<vmem>> -> memref<256xf32, #tpu.memory_space<vmem>>
        tpu.enqueue_dma source(%dma_start3A_104 : memref<256xf32, #tpu.memory_space<vmem>>) target(%dma_start3A_103 : memref<256xf32, #tpu.memory_space<hbm>>) target_semaphore(%arg10 : memref<!tpu.dma_semaphore, #tpu.memory_space<semaphore_mem>>)
        %slice3A_105 = vector.extract_strided_slice %get3A_82 {offsets = [2], sizes = [1], strides = [1]} : vector<16xi32> to vector<1xi32>
        %squeeze3A_106 = vector.extract %slice3A_105[0] : i32 from vector<1xi32>
        %multiple_of3A_107 = tpu.assume_multiple %squeeze3A_106, 256 : i32
        %add3A_108 = arith.constant 512 : i32
        %add3A_109 = arith.addi %multiple_of3A, %add3A_108 : i32
        %dma_start3A_110 = tpu.memref_slice %arg5[%multiple_of3A_107] : memref<65536xf32, #tpu.memory_space<vmem>> -> memref<256xf32, #tpu.memory_space<vmem>>
        %dma_start3A_111 = tpu.memref_slice %arg4[%add3A_109] : memref<209715200xf32, #tpu.memory_space<hbm>> -> memref<256xf32, #tpu.memory_space<hbm>>
        %dma_start3A_112 = tpu.memref_slice %arg4[%add3A_109] : memref<209715200xf32, #tpu.memory_space<hbm>> -> memref<256xf32, #tpu.memory_space<hbm>>
        %dma_start3A_113 = tpu.memref_slice %arg5[%multiple_of3A_107] : memref<65536xf32, #tpu.memory_space<vmem>> -> memref<256xf32, #tpu.memory_space<vmem>>
        tpu.enqueue_dma source(%dma_start3A_113 : memref<256xf32, #tpu.memory_space<vmem>>) target(%dma_start3A_112 : memref<256xf32, #tpu.memory_space<hbm>>) target_semaphore(%arg10 : memref<!tpu.dma_semaphore, #tpu.memory_space<semaphore_mem>>)
        %slice3A_114 = vector.extract_strided_slice %get3A_82 {offsets = [3], sizes = [1], strides = [1]} : vector<16xi32> to vector<1xi32>
        %squeeze3A_115 = vector.extract %slice3A_114[0] : i32 from vector<1xi32>
        %multiple_of3A_116 = tpu.assume_multiple %squeeze3A_115, 256 : i32
        %add3A_117 = arith.constant 768 : i32
        %add3A_118 = arith.addi %multiple_of3A, %add3A_117 : i32
        %dma_start3A_119 = tpu.memref_slice %arg5[%multiple_of3A_116] : memref<65536xf32, #tpu.memory_space<vmem>> -> memref<256xf32, #tpu.memory_space<vmem>>
        %dma_start3A_120 = tpu.memref_slice %arg4[%add3A_118] : memref<209715200xf32, #tpu.memory_space<hbm>> -> memref<256xf32, #tpu.memory_space<hbm>>
        %dma_start3A_121 = tpu.memref_slice %arg4[%add3A_118] : memref<209715200xf32, #tpu.memory_space<hbm>> -> memref<256xf32, #tpu.memory_space<hbm>>
        %dma_start3A_122 = tpu.memref_slice %arg5[%multiple_of3A_116] : memref<65536xf32, #tpu.memory_space<vmem>> -> memref<256xf32, #tpu.memory_space<vmem>>
        tpu.enqueue_dma source(%dma_start3A_122 : memref<256xf32, #tpu.memory_space<vmem>>) target(%dma_start3A_121 : memref<256xf32, #tpu.memory_space<hbm>>) target_semaphore(%arg10 : memref<!tpu.dma_semaphore, #tpu.memory_space<semaphore_mem>>)
        %slice3A_123 = vector.extract_strided_slice %get3A_82 {offsets = [4], sizes = [1], strides = [1]} : vector<16xi32> to vector<1xi32>
        %squeeze3A_124 = vector.extract %slice3A_123[0] : i32 from vector<1xi32>
        %multiple_of3A_125 = tpu.assume_multiple %squeeze3A_124, 256 : i32
        %add3A_126 = arith.constant 1024 : i32
        %add3A_127 = arith.addi %multiple_of3A, %add3A_126 : i32
        %dma_start3A_128 = tpu.memref_slice %arg5[%multiple_of3A_125] : memref<65536xf32, #tpu.memory_space<vmem>> -> memref<256xf32, #tpu.memory_space<vmem>>
        %dma_start3A_129 = tpu.memref_slice %arg4[%add3A_127] : memref<209715200xf32, #tpu.memory_space<hbm>> -> memref<256xf32, #tpu.memory_space<hbm>>
        %dma_start3A_130 = tpu.memref_slice %arg4[%add3A_127] : memref<209715200xf32, #tpu.memory_space<hbm>> -> memref<256xf32, #tpu.memory_space<hbm>>
        %dma_start3A_131 = tpu.memref_slice %arg5[%multiple_of3A_125] : memref<65536xf32, #tpu.memory_space<vmem>> -> memref<256xf32, #tpu.memory_space<vmem>>
        tpu.enqueue_dma source(%dma_start3A_131 : memref<256xf32, #tpu.memory_space<vmem>>) target(%dma_start3A_130 : memref<256xf32, #tpu.memory_space<hbm>>) target_semaphore(%arg10 : memref<!tpu.dma_semaphore, #tpu.memory_space<semaphore_mem>>)
        %slice3A_132 = vector.extract_strided_slice %get3A_82 {offsets = [5], sizes = [1], strides = [1]} : vector<16xi32> to vector<1xi32>
        %squeeze3A_133 = vector.extract %slice3A_132[0] : i32 from vector<1xi32>
        %multiple_of3A_134 = tpu.assume_multiple %squeeze3A_133, 256 : i32
        %add3A_135 = arith.constant 1280 : i32
        %add3A_136 = arith.addi %multiple_of3A, %add3A_135 : i32
        %dma_start3A_137 = tpu.memref_slice %arg5[%multiple_of3A_134] : memref<65536xf32, #tpu.memory_space<vmem>> -> memref<256xf32, #tpu.memory_space<vmem>>
        %dma_start3A_138 = tpu.memref_slice %arg4[%add3A_136] : memref<209715200xf32, #tpu.memory_space<hbm>> -> memref<256xf32, #tpu.memory_space<hbm>>
        %dma_start3A_139 = tpu.memref_slice %arg4[%add3A_136] : memref<209715200xf32, #tpu.memory_space<hbm>> -> memref<256xf32, #tpu.memory_space<hbm>>
        %dma_start3A_140 = tpu.memref_slice %arg5[%multiple_of3A_134] : memref<65536xf32, #tpu.memory_space<vmem>> -> memref<256xf32, #tpu.memory_space<vmem>>
        tpu.enqueue_dma source(%dma_start3A_140 : memref<256xf32, #tpu.memory_space<vmem>>) target(%dma_start3A_139 : memref<256xf32, #tpu.memory_space<hbm>>) target_semaphore(%arg10 : memref<!tpu.dma_semaphore, #tpu.memory_space<semaphore_mem>>)
        %slice3A_141 = vector.extract_strided_slice %get3A_82 {offsets = [6], sizes = [1], strides = [1]} : vector<16xi32> to vector<1xi32>
        %squeeze3A_142 = vector.extract %slice3A_141[0] : i32 from vector<1xi32>
        %multiple_of3A_143 = tpu.assume_multiple %squeeze3A_142, 256 : i32
        %add3A_144 = arith.constant 1536 : i32
        %add3A_145 = arith.addi %multiple_of3A, %add3A_144 : i32
        %dma_start3A_146 = tpu.memref_slice %arg5[%multiple_of3A_143] : memref<65536xf32, #tpu.memory_space<vmem>> -> memref<256xf32, #tpu.memory_space<vmem>>
        %dma_start3A_147 = tpu.memref_slice %arg4[%add3A_145] : memref<209715200xf32, #tpu.memory_space<hbm>> -> memref<256xf32, #tpu.memory_space<hbm>>
        %dma_start3A_148 = tpu.memref_slice %arg4[%add3A_145] : memref<209715200xf32, #tpu.memory_space<hbm>> -> memref<256xf32, #tpu.memory_space<hbm>>
        %dma_start3A_149 = tpu.memref_slice %arg5[%multiple_of3A_143] : memref<65536xf32, #tpu.memory_space<vmem>> -> memref<256xf32, #tpu.memory_space<vmem>>
        tpu.enqueue_dma source(%dma_start3A_149 : memref<256xf32, #tpu.memory_space<vmem>>) target(%dma_start3A_148 : memref<256xf32, #tpu.memory_space<hbm>>) target_semaphore(%arg10 : memref<!tpu.dma_semaphore, #tpu.memory_space<semaphore_mem>>)
        %slice3A_150 = vector.extract_strided_slice %get3A_82 {offsets = [7], sizes = [1], strides = [1]} : vector<16xi32> to vector<1xi32>
        %squeeze3A_151 = vector.extract %slice3A_150[0] : i32 from vector<1xi32>
        %multiple_of3A_152 = tpu.assume_multiple %squeeze3A_151, 256 : i32
        %add3A_153 = arith.constant 1792 : i32
        %add3A_154 = arith.addi %multiple_of3A, %add3A_153 : i32
        %dma_start3A_155 = tpu.memref_slice %arg5[%multiple_of3A_152] : memref<65536xf32, #tpu.memory_space<vmem>> -> memref<256xf32, #tpu.memory_space<vmem>>
        %dma_start3A_156 = tpu.memref_slice %arg4[%add3A_154] : memref<209715200xf32, #tpu.memory_space<hbm>> -> memref<256xf32, #tpu.memory_space<hbm>>
        %dma_start3A_157 = tpu.memref_slice %arg4[%add3A_154] : memref<209715200xf32, #tpu.memory_space<hbm>> -> memref<256xf32, #tpu.memory_space<hbm>>
        %dma_start3A_158 = tpu.memref_slice %arg5[%multiple_of3A_152] : memref<65536xf32, #tpu.memory_space<vmem>> -> memref<256xf32, #tpu.memory_space<vmem>>
        tpu.enqueue_dma source(%dma_start3A_158 : memref<256xf32, #tpu.memory_space<vmem>>) target(%dma_start3A_157 : memref<256xf32, #tpu.memory_space<hbm>>) target_semaphore(%arg10 : memref<!tpu.dma_semaphore, #tpu.memory_space<semaphore_mem>>)
        %slice3A_159 = vector.extract_strided_slice %get3A_82 {offsets = [8], sizes = [1], strides = [1]} : vector<16xi32> to vector<1xi32>
        %squeeze3A_160 = vector.extract %slice3A_159[0] : i32 from vector<1xi32>
        %multiple_of3A_161 = tpu.assume_multiple %squeeze3A_160, 256 : i32
        %add3A_162 = arith.constant 2048 : i32
        %add3A_163 = arith.addi %multiple_of3A, %add3A_162 : i32
        %dma_start3A_164 = tpu.memref_slice %arg5[%multiple_of3A_161] : memref<65536xf32, #tpu.memory_space<vmem>> -> memref<256xf32, #tpu.memory_space<vmem>>
        %dma_start3A_165 = tpu.memref_slice %arg4[%add3A_163] : memref<209715200xf32, #tpu.memory_space<hbm>> -> memref<256xf32, #tpu.memory_space<hbm>>
        %dma_start3A_166 = tpu.memref_slice %arg4[%add3A_163] : memref<209715200xf32, #tpu.memory_space<hbm>> -> memref<256xf32, #tpu.memory_space<hbm>>
        %dma_start3A_167 = tpu.memref_slice %arg5[%multiple_of3A_161] : memref<65536xf32, #tpu.memory_space<vmem>> -> memref<256xf32, #tpu.memory_space<vmem>>
        tpu.enqueue_dma source(%dma_start3A_167 : memref<256xf32, #tpu.memory_space<vmem>>) target(%dma_start3A_166 : memref<256xf32, #tpu.memory_space<hbm>>) target_semaphore(%arg10 : memref<!tpu.dma_semaphore, #tpu.memory_space<semaphore_mem>>)
        %slice3A_168 = vector.extract_strided_slice %get3A_82 {offsets = [9], sizes = [1], strides = [1]} : vector<16xi32> to vector<1xi32>
        %squeeze3A_169 = vector.extract %slice3A_168[0] : i32 from vector<1xi32>
        %multiple_of3A_170 = tpu.assume_multiple %squeeze3A_169, 256 : i32
        %add3A_171 = arith.constant 2304 : i32
        %add3A_172 = arith.addi %multiple_of3A, %add3A_171 : i32
        %dma_start3A_173 = tpu.memref_slice %arg5[%multiple_of3A_170] : memref<65536xf32, #tpu.memory_space<vmem>> -> memref<256xf32, #tpu.memory_space<vmem>>
        %dma_start3A_174 = tpu.memref_slice %arg4[%add3A_172] : memref<209715200xf32, #tpu.memory_space<hbm>> -> memref<256xf32, #tpu.memory_space<hbm>>
        %dma_start3A_175 = tpu.memref_slice %arg4[%add3A_172] : memref<209715200xf32, #tpu.memory_space<hbm>> -> memref<256xf32, #tpu.memory_space<hbm>>
        %dma_start3A_176 = tpu.memref_slice %arg5[%multiple_of3A_170] : memref<65536xf32, #tpu.memory_space<vmem>> -> memref<256xf32, #tpu.memory_space<vmem>>
        tpu.enqueue_dma source(%dma_start3A_176 : memref<256xf32, #tpu.memory_space<vmem>>) target(%dma_start3A_175 : memref<256xf32, #tpu.memory_space<hbm>>) target_semaphore(%arg10 : memref<!tpu.dma_semaphore, #tpu.memory_space<semaphore_mem>>)
        %slice3A_177 = vector.extract_strided_slice %get3A_82 {offsets = [10], sizes = [1], strides = [1]} : vector<16xi32> to vector<1xi32>
        %squeeze3A_178 = vector.extract %slice3A_177[0] : i32 from vector<1xi32>
        %multiple_of3A_179 = tpu.assume_multiple %squeeze3A_178, 256 : i32
        %add3A_180 = arith.constant 2560 : i32
        %add3A_181 = arith.addi %multiple_of3A, %add3A_180 : i32
        %dma_start3A_182 = tpu.memref_slice %arg5[%multiple_of3A_179] : memref<65536xf32, #tpu.memory_space<vmem>> -> memref<256xf32, #tpu.memory_space<vmem>>
        %dma_start3A_183 = tpu.memref_slice %arg4[%add3A_181] : memref<209715200xf32, #tpu.memory_space<hbm>> -> memref<256xf32, #tpu.memory_space<hbm>>
        %dma_start3A_184 = tpu.memref_slice %arg4[%add3A_181] : memref<209715200xf32, #tpu.memory_space<hbm>> -> memref<256xf32, #tpu.memory_space<hbm>>
        %dma_start3A_185 = tpu.memref_slice %arg5[%multiple_of3A_179] : memref<65536xf32, #tpu.memory_space<vmem>> -> memref<256xf32, #tpu.memory_space<vmem>>
        tpu.enqueue_dma source(%dma_start3A_185 : memref<256xf32, #tpu.memory_space<vmem>>) target(%dma_start3A_184 : memref<256xf32, #tpu.memory_space<hbm>>) target_semaphore(%arg10 : memref<!tpu.dma_semaphore, #tpu.memory_space<semaphore_mem>>)
        %slice3A_186 = vector.extract_strided_slice %get3A_82 {offsets = [11], sizes = [1], strides = [1]} : vector<16xi32> to vector<1xi32>
        %squeeze3A_187 = vector.extract %slice3A_186[0] : i32 from vector<1xi32>
        %multiple_of3A_188 = tpu.assume_multiple %squeeze3A_187, 256 : i32
        %add3A_189 = arith.constant 2816 : i32
        %add3A_190 = arith.addi %multiple_of3A, %add3A_189 : i32
        %dma_start3A_191 = tpu.memref_slice %arg5[%multiple_of3A_188] : memref<65536xf32, #tpu.memory_space<vmem>> -> memref<256xf32, #tpu.memory_space<vmem>>
        %dma_start3A_192 = tpu.memref_slice %arg4[%add3A_190] : memref<209715200xf32, #tpu.memory_space<hbm>> -> memref<256xf32, #tpu.memory_space<hbm>>
        %dma_start3A_193 = tpu.memref_slice %arg4[%add3A_190] : memref<209715200xf32, #tpu.memory_space<hbm>> -> memref<256xf32, #tpu.memory_space<hbm>>
        %dma_start3A_194 = tpu.memref_slice %arg5[%multiple_of3A_188] : memref<65536xf32, #tpu.memory_space<vmem>> -> memref<256xf32, #tpu.memory_space<vmem>>
        tpu.enqueue_dma source(%dma_start3A_194 : memref<256xf32, #tpu.memory_space<vmem>>) target(%dma_start3A_193 : memref<256xf32, #tpu.memory_space<hbm>>) target_semaphore(%arg10 : memref<!tpu.dma_semaphore, #tpu.memory_space<semaphore_mem>>)
        %slice3A_195 = vector.extract_strided_slice %get3A_82 {offsets = [12], sizes = [1], strides = [1]} : vector<16xi32> to vector<1xi32>
        %squeeze3A_196 = vector.extract %slice3A_195[0] : i32 from vector<1xi32>
        %multiple_of3A_197 = tpu.assume_multiple %squeeze3A_196, 256 : i32
        %add3A_198 = arith.constant 3072 : i32
        %add3A_199 = arith.addi %multiple_of3A, %add3A_198 : i32
        %dma_start3A_200 = tpu.memref_slice %arg5[%multiple_of3A_197] : memref<65536xf32, #tpu.memory_space<vmem>> -> memref<256xf32, #tpu.memory_space<vmem>>
        %dma_start3A_201 = tpu.memref_slice %arg4[%add3A_199] : memref<209715200xf32, #tpu.memory_space<hbm>> -> memref<256xf32, #tpu.memory_space<hbm>>
        %dma_start3A_202 = tpu.memref_slice %arg4[%add3A_199] : memref<209715200xf32, #tpu.memory_space<hbm>> -> memref<256xf32, #tpu.memory_space<hbm>>
        %dma_start3A_203 = tpu.memref_slice %arg5[%multiple_of3A_197] : memref<65536xf32, #tpu.memory_space<vmem>> -> memref<256xf32, #tpu.memory_space<vmem>>
        tpu.enqueue_dma source(%dma_start3A_203 : memref<256xf32, #tpu.memory_space<vmem>>) target(%dma_start3A_202 : memref<256xf32, #tpu.memory_space<hbm>>) target_semaphore(%arg10 : memref<!tpu.dma_semaphore, #tpu.memory_space<semaphore_mem>>)
        %slice3A_204 = vector.extract_strided_slice %get3A_82 {offsets = [13], sizes = [1], strides = [1]} : vector<16xi32> to vector<1xi32>
        %squeeze3A_205 = vector.extract %slice3A_204[0] : i32 from vector<1xi32>
        %multiple_of3A_206 = tpu.assume_multiple %squeeze3A_205, 256 : i32
        %add3A_207 = arith.constant 3328 : i32
        %add3A_208 = arith.addi %multiple_of3A, %add3A_207 : i32
        %dma_start3A_209 = tpu.memref_slice %arg5[%multiple_of3A_206] : memref<65536xf32, #tpu.memory_space<vmem>> -> memref<256xf32, #tpu.memory_space<vmem>>
        %dma_start3A_210 = tpu.memref_slice %arg4[%add3A_208] : memref<209715200xf32, #tpu.memory_space<hbm>> -> memref<256xf32, #tpu.memory_space<hbm>>
        %dma_start3A_211 = tpu.memref_slice %arg4[%add3A_208] : memref<209715200xf32, #tpu.memory_space<hbm>> -> memref<256xf32, #tpu.memory_space<hbm>>
        %dma_start3A_212 = tpu.memref_slice %arg5[%multiple_of3A_206] : memref<65536xf32, #tpu.memory_space<vmem>> -> memref<256xf32, #tpu.memory_space<vmem>>
        tpu.enqueue_dma source(%dma_start3A_212 : memref<256xf32, #tpu.memory_space<vmem>>) target(%dma_start3A_211 : memref<256xf32, #tpu.memory_space<hbm>>) target_semaphore(%arg10 : memref<!tpu.dma_semaphore, #tpu.memory_space<semaphore_mem>>)
        %slice3A_213 = vector.extract_strided_slice %get3A_82 {offsets = [14], sizes = [1], strides = [1]} : vector<16xi32> to vector<1xi32>
        %squeeze3A_214 = vector.extract %slice3A_213[0] : i32 from vector<1xi32>
        %multiple_of3A_215 = tpu.assume_multiple %squeeze3A_214, 256 : i32
        %add3A_216 = arith.constant 3584 : i32
        %add3A_217 = arith.addi %multiple_of3A, %add3A_216 : i32
        %dma_start3A_218 = tpu.memref_slice %arg5[%multiple_of3A_215] : memref<65536xf32, #tpu.memory_space<vmem>> -> memref<256xf32, #tpu.memory_space<vmem>>
        %dma_start3A_219 = tpu.memref_slice %arg4[%add3A_217] : memref<209715200xf32, #tpu.memory_space<hbm>> -> memref<256xf32, #tpu.memory_space<hbm>>
        %dma_start3A_220 = tpu.memref_slice %arg4[%add3A_217] : memref<209715200xf32, #tpu.memory_space<hbm>> -> memref<256xf32, #tpu.memory_space<hbm>>
        %dma_start3A_221 = tpu.memref_slice %arg5[%multiple_of3A_215] : memref<65536xf32, #tpu.memory_space<vmem>> -> memref<256xf32, #tpu.memory_space<vmem>>
        tpu.enqueue_dma source(%dma_start3A_221 : memref<256xf32, #tpu.memory_space<vmem>>) target(%dma_start3A_220 : memref<256xf32, #tpu.memory_space<hbm>>) target_semaphore(%arg10 : memref<!tpu.dma_semaphore, #tpu.memory_space<semaphore_mem>>)
        %slice3A_222 = vector.extract_strided_slice %get3A_82 {offsets = [15], sizes = [1], strides = [1]} : vector<16xi32> to vector<1xi32>
        %squeeze3A_223 = vector.extract %slice3A_222[0] : i32 from vector<1xi32>
        %multiple_of3A_224 = tpu.assume_multiple %squeeze3A_223, 256 : i32
        %add3A_225 = arith.constant 3840 : i32
        %add3A_226 = arith.addi %multiple_of3A, %add3A_225 : i32
        %dma_start3A_227 = tpu.memref_slice %arg5[%multiple_of3A_224] : memref<65536xf32, #tpu.memory_space<vmem>> -> memref<256xf32, #tpu.memory_space<vmem>>
        %dma_start3A_228 = tpu.memref_slice %arg4[%add3A_226] : memref<209715200xf32, #tpu.memory_space<hbm>> -> memref<256xf32, #tpu.memory_space<hbm>>
        %dma_start3A_229 = tpu.memref_slice %arg4[%add3A_226] : memref<209715200xf32, #tpu.memory_space<hbm>> -> memref<256xf32, #tpu.memory_space<hbm>>
        %dma_start3A_230 = tpu.memref_slice %arg5[%multiple_of3A_224] : memref<65536xf32, #tpu.memory_space<vmem>> -> memref<256xf32, #tpu.memory_space<vmem>>
        tpu.enqueue_dma source(%dma_start3A_230 : memref<256xf32, #tpu.memory_space<vmem>>) target(%dma_start3A_229 : memref<256xf32, #tpu.memory_space<hbm>>) target_semaphore(%arg10 : memref<!tpu.dma_semaphore, #tpu.memory_space<semaphore_mem>>)
      }
      %scan3A_48 = arith.constant 8 : i32
      %mul3A_49 = arith.constant 2 : i32
      %mul3A_50 = arith.muli %scan3A_22, %mul3A_49 : i32
      %add3A_51 = arith.constant 1 : i32
      %add3A_52 = arith.addi %mul3A_50, %add3A_51 : i32
      %dma_wait3A_53 = tpu.memref_slice %arg2[%mul3A_2] : memref<819200xf32, #tpu.memory_space<hbm>> -> memref<128xf32, #tpu.memory_space<hbm>>
      %dma_wait3A_54 = tpu.memref_slice %arg2[%mul3A_2] : memref<819200xf32, #tpu.memory_space<hbm>> -> memref<128xf32, #tpu.memory_space<hbm>>
      tpu.wait_dma2 semaphore(%arg9 : memref<!tpu.dma_semaphore, #tpu.memory_space<semaphore_mem>>) src(%dma_wait3A_54 : memref<128xf32, #tpu.memory_space<hbm>>) dst(%arg6 : memref<128xf32, #tpu.memory_space<vmem>>)
      %scan3A_55 = arith.constant 0 : i32
      %scan3A_56 = arith.constant 0 : i32
      %scan3A_57 = arith.constant 8 : i32
      %scan3A_58 = arith.addi %scan3A_56, %scan3A_57 : i32
      %scan3A_59 = arith.constant 1 : i32
      scf.for %scan3A_79 = %scan3A_56 to %scan3A_58 step %scan3A_59  : i32 {
        %mul3A_80 = arith.constant 16 : i32
        %mul3A_81 = arith.muli %scan3A_79, %mul3A_80 : i32
        %get3A = arith.index_cast %mul3A_81 : i32 to index
        %get3A_82 = tpu.vector_load %arg7[%get3A] {strides = array<i32>} : memref<128xf32, #tpu.memory_space<vmem>>, vector<16xf32>,
        %sub3A = arith.constant 5.000000e+01 : f32
        %sub3A_83 = vector.broadcast %sub3A : f32 to vector<16xf32>
        %sub3A_84 = arith.subf %get3A_82, %sub3A_83 : vector<16xf32>
        %mul3A_85 = arith.constant 0.00285714283 : f32
        %mul3A_86 = vector.broadcast %mul3A_85 : f32 to vector<16xf32>
        %mul3A_87 = arith.mulf %sub3A_84, %mul3A_86 : vector<16xf32>
        %jit3A = arith.constant 0.000000e+00 : f32
        %jit3A_88 = arith.constant 1.000000e+00 : f32
        %max3A = vector.broadcast %jit3A : f32 to vector<16xf32>
        %max3A_89 = arith.maximumf %max3A, %mul3A_87 : vector<16xf32>
        %min3A = vector.broadcast %jit3A_88 : f32 to vector<16xf32>
        %min3A_90 = arith.minimumf %min3A, %max3A_89 : vector<16xf32>
        %mul3A_91 = arith.constant 2.550000e+02 : f32
        %mul3A_92 = vector.broadcast %mul3A_91 : f32 to vector<16xf32>
        %mul3A_93 = arith.mulf %min3A_90, %mul3A_92 : vector<16xf32>
        %convert_element_type3A_94 = arith.fptosi %mul3A_93 : vector<16xf32> to vector<16xi32>
        %mul3A_95 = arith.constant 256 : i32
        %mul3A_96 = vector.broadcast %mul3A_95 : i32 to vector<16xi32>
        %mul3A_97 = arith.muli %convert_element_type3A_94, %mul3A_96 : vector<16xi32>
        %mul3A_98 = arith.constant 16 : i32
        %mul3A_99 = arith.muli %scan3A_79, %mul3A_98 : i32
        %swap3A = arith.index_cast %mul3A_99 : i32 to index
        %swap3A_100 = tpu.vector_load %arg8[%swap3A] {strides = array<i32>} : memref<128xi32, #tpu.memory_space<vmem>>, vector<16xi32>,
        tpu.vector_store %arg8[%swap3A], %mul3A_97 {strides = array<i32>} : memref<128xi32, #tpu.memory_space<vmem>>, vector<16xi32>,
      }
      %scan3A_60 = arith.constant 8 : i32
      %add3A_61 = arith.constant 2 : i32
      %add3A_62 = arith.addi %add3A_52, %add3A_61 : i32
      %lt3A_63 = arith.constant 200 : i32
      %lt3A_64 = arith.cmpi slt, %add3A_62, %lt3A_63 : i32
      %convert_element_type3A_65 = arith.extui %lt3A_64 : i1 to i32
      %cond3A_66 = arith.constant 0 : i32
      %cond3A_67 = arith.cmpi ne, %convert_element_type3A_65, %cond3A_66 : i32
      scf.if %cond3A_67 {
        %add3A_79 = arith.constant 2 : i32
        %add3A_80 = arith.addi %add3A_52, %add3A_79 : i32
        %mul3A_81 = arith.constant 128 : i32
        %mul3A_82 = arith.muli %add3A_80, %mul3A_81 : i32
        %add3A_83 = arith.addi %mul3A_2, %mul3A_82 : i32
        %dma_start3A_84 = tpu.memref_slice %arg2[%add3A_83] : memref<819200xf32, #tpu.memory_space<hbm>> -> memref<128xf32, #tpu.memory_space<hbm>>
        %dma_start3A_85 = tpu.memref_slice %arg2[%add3A_83] : memref<819200xf32, #tpu.memory_space<hbm>> -> memref<128xf32, #tpu.memory_space<hbm>>
        tpu.enqueue_dma source(%dma_start3A_85 : memref<128xf32, #tpu.memory_space<hbm>>) target(%arg7 : memref<128xf32, #tpu.memory_space<vmem>>) target_semaphore(%arg9 : memref<!tpu.dma_semaphore, #tpu.memory_space<semaphore_mem>>)
      } else {
      }
      %ge3A_68 = arith.constant 1 : i32
      %ge3A_69 = arith.cmpi sge, %add3A_52, %ge3A_68 : i32
      %convert_element_type3A_70 = arith.extui %ge3A_69 : i1 to i32
      %cond3A_71 = arith.constant 0 : i32
      %cond3A_72 = arith.cmpi ne, %convert_element_type3A_70, %cond3A_71 : i32
      scf.if %cond3A_72 {
        %mul3A_79 = arith.constant 256 : i32
        %mul3A_80 = arith.muli %mul3A_2, %mul3A_79 : i32
        %dma_wait3A_81 = arith.constant 0 : i32
        %dma_wait3A_82 = tpu.memref_slice %arg5[%dma_wait3A_81] : memref<65536xf32, #tpu.memory_space<vmem>> -> memref<32768xf32, #tpu.memory_space<vmem>>
        %dma_wait3A_83 = tpu.memref_slice %arg4[%mul3A_80] : memref<209715200xf32, #tpu.memory_space<hbm>> -> memref<32768xf32, #tpu.memory_space<hbm>>
        %dma_wait3A_84 = tpu.memref_slice %arg4[%mul3A_80] : memref<209715200xf32, #tpu.memory_space<hbm>> -> memref<32768xf32, #tpu.memory_space<hbm>>
        %dma_wait3A_85 = arith.constant 0 : i32
        %dma_wait3A_86 = tpu.memref_slice %arg5[%dma_wait3A_85] : memref<65536xf32, #tpu.memory_space<vmem>> -> memref<32768xf32, #tpu.memory_space<vmem>>
        tpu.wait_dma2 semaphore(%arg10 : memref<!tpu.dma_semaphore, #tpu.memory_space<semaphore_mem>>) src(%dma_wait3A_86 : memref<32768xf32, #tpu.memory_space<vmem>>) dst(%dma_wait3A_84 : memref<32768xf32, #tpu.memory_space<hbm>>)
      } else {
      }
      %scan3A_73 = arith.constant 0 : i32
      %scan3A_74 = arith.constant 0 : i32
      %scan3A_75 = arith.constant 8 : i32
      %scan3A_76 = arith.addi %scan3A_74, %scan3A_75 : i32
      %scan3A_77 = arith.constant 1 : i32
      scf.for %scan3A_79 = %scan3A_74 to %scan3A_76 step %scan3A_77  : i32 {
        %mul3A_80 = arith.constant 16 : i32
        %mul3A_81 = arith.muli %scan3A_79, %mul3A_80 : i32
        %get3A = arith.index_cast %mul3A_81 : i32 to index
        %get3A_82 = tpu.vector_load %arg8[%get3A] {strides = array<i32>} : memref<128xi32, #tpu.memory_space<vmem>>, vector<16xi32>,
        %mul3A_83 = arith.constant 128 : i32
        %mul3A_84 = arith.muli %add3A_52, %mul3A_83 : i32
        %add3A_85 = arith.addi %mul3A_2, %mul3A_84 : i32
        %add3A_86 = arith.addi %add3A_85, %mul3A_81 : i32
        %mul3A_87 = arith.constant 256 : i32
        %mul3A_88 = arith.muli %add3A_86, %mul3A_87 : i32
        %multiple_of3A = tpu.assume_multiple %mul3A_88, 256 : i32
        %slice3A = vector.extract_strided_slice %get3A_82 {offsets = [0], sizes = [1], strides = [1]} : vector<16xi32> to vector<1xi32>
        %squeeze3A = vector.extract %slice3A[0] : i32 from vector<1xi32>
        %multiple_of3A_89 = tpu.assume_multiple %squeeze3A, 256 : i32
        %add3A_90 = arith.constant 0 : i32
        %add3A_91 = arith.addi %multiple_of3A, %add3A_90 : i32
        %dma_start3A_92 = tpu.memref_slice %arg5[%multiple_of3A_89] : memref<65536xf32, #tpu.memory_space<vmem>> -> memref<256xf32, #tpu.memory_space<vmem>>
        %dma_start3A_93 = tpu.memref_slice %arg4[%add3A_91] : memref<209715200xf32, #tpu.memory_space<hbm>> -> memref<256xf32, #tpu.memory_space<hbm>>
        %dma_start3A_94 = tpu.memref_slice %arg4[%add3A_91] : memref<209715200xf32, #tpu.memory_space<hbm>> -> memref<256xf32, #tpu.memory_space<hbm>>
        %dma_start3A_95 = tpu.memref_slice %arg5[%multiple_of3A_89] : memref<65536xf32, #tpu.memory_space<vmem>> -> memref<256xf32, #tpu.memory_space<vmem>>
        tpu.enqueue_dma source(%dma_start3A_95 : memref<256xf32, #tpu.memory_space<vmem>>) target(%dma_start3A_94 : memref<256xf32, #tpu.memory_space<hbm>>) target_semaphore(%arg10 : memref<!tpu.dma_semaphore, #tpu.memory_space<semaphore_mem>>)
        %slice3A_96 = vector.extract_strided_slice %get3A_82 {offsets = [1], sizes = [1], strides = [1]} : vector<16xi32> to vector<1xi32>
        %squeeze3A_97 = vector.extract %slice3A_96[0] : i32 from vector<1xi32>
        %multiple_of3A_98 = tpu.assume_multiple %squeeze3A_97, 256 : i32
        %add3A_99 = arith.constant 256 : i32
        %add3A_100 = arith.addi %multiple_of3A, %add3A_99 : i32
        %dma_start3A_101 = tpu.memref_slice %arg5[%multiple_of3A_98] : memref<65536xf32, #tpu.memory_space<vmem>> -> memref<256xf32, #tpu.memory_space<vmem>>
        %dma_start3A_102 = tpu.memref_slice %arg4[%add3A_100] : memref<209715200xf32, #tpu.memory_space<hbm>> -> memref<256xf32, #tpu.memory_space<hbm>>
        %dma_start3A_103 = tpu.memref_slice %arg4[%add3A_100] : memref<209715200xf32, #tpu.memory_space<hbm>> -> memref<256xf32, #tpu.memory_space<hbm>>
        %dma_start3A_104 = tpu.memref_slice %arg5[%multiple_of3A_98] : memref<65536xf32, #tpu.memory_space<vmem>> -> memref<256xf32, #tpu.memory_space<vmem>>
        tpu.enqueue_dma source(%dma_start3A_104 : memref<256xf32, #tpu.memory_space<vmem>>) target(%dma_start3A_103 : memref<256xf32, #tpu.memory_space<hbm>>) target_semaphore(%arg10 : memref<!tpu.dma_semaphore, #tpu.memory_space<semaphore_mem>>)
        %slice3A_105 = vector.extract_strided_slice %get3A_82 {offsets = [2], sizes = [1], strides = [1]} : vector<16xi32> to vector<1xi32>
        %squeeze3A_106 = vector.extract %slice3A_105[0] : i32 from vector<1xi32>
        %multiple_of3A_107 = tpu.assume_multiple %squeeze3A_106, 256 : i32
        %add3A_108 = arith.constant 512 : i32
        %add3A_109 = arith.addi %multiple_of3A, %add3A_108 : i32
        %dma_start3A_110 = tpu.memref_slice %arg5[%multiple_of3A_107] : memref<65536xf32, #tpu.memory_space<vmem>> -> memref<256xf32, #tpu.memory_space<vmem>>
        %dma_start3A_111 = tpu.memref_slice %arg4[%add3A_109] : memref<209715200xf32, #tpu.memory_space<hbm>> -> memref<256xf32, #tpu.memory_space<hbm>>
        %dma_start3A_112 = tpu.memref_slice %arg4[%add3A_109] : memref<209715200xf32, #tpu.memory_space<hbm>> -> memref<256xf32, #tpu.memory_space<hbm>>
        %dma_start3A_113 = tpu.memref_slice %arg5[%multiple_of3A_107] : memref<65536xf32, #tpu.memory_space<vmem>> -> memref<256xf32, #tpu.memory_space<vmem>>
        tpu.enqueue_dma source(%dma_start3A_113 : memref<256xf32, #tpu.memory_space<vmem>>) target(%dma_start3A_112 : memref<256xf32, #tpu.memory_space<hbm>>) target_semaphore(%arg10 : memref<!tpu.dma_semaphore, #tpu.memory_space<semaphore_mem>>)
        %slice3A_114 = vector.extract_strided_slice %get3A_82 {offsets = [3], sizes = [1], strides = [1]} : vector<16xi32> to vector<1xi32>
        %squeeze3A_115 = vector.extract %slice3A_114[0] : i32 from vector<1xi32>
        %multiple_of3A_116 = tpu.assume_multiple %squeeze3A_115, 256 : i32
        %add3A_117 = arith.constant 768 : i32
        %add3A_118 = arith.addi %multiple_of3A, %add3A_117 : i32
        %dma_start3A_119 = tpu.memref_slice %arg5[%multiple_of3A_116] : memref<65536xf32, #tpu.memory_space<vmem>> -> memref<256xf32, #tpu.memory_space<vmem>>
        %dma_start3A_120 = tpu.memref_slice %arg4[%add3A_118] : memref<209715200xf32, #tpu.memory_space<hbm>> -> memref<256xf32, #tpu.memory_space<hbm>>
        %dma_start3A_121 = tpu.memref_slice %arg4[%add3A_118] : memref<209715200xf32, #tpu.memory_space<hbm>> -> memref<256xf32, #tpu.memory_space<hbm>>
        %dma_start3A_122 = tpu.memref_slice %arg5[%multiple_of3A_116] : memref<65536xf32, #tpu.memory_space<vmem>> -> memref<256xf32, #tpu.memory_space<vmem>>
        tpu.enqueue_dma source(%dma_start3A_122 : memref<256xf32, #tpu.memory_space<vmem>>) target(%dma_start3A_121 : memref<256xf32, #tpu.memory_space<hbm>>) target_semaphore(%arg10 : memref<!tpu.dma_semaphore, #tpu.memory_space<semaphore_mem>>)
        %slice3A_123 = vector.extract_strided_slice %get3A_82 {offsets = [4], sizes = [1], strides = [1]} : vector<16xi32> to vector<1xi32>
        %squeeze3A_124 = vector.extract %slice3A_123[0] : i32 from vector<1xi32>
        %multiple_of3A_125 = tpu.assume_multiple %squeeze3A_124, 256 : i32
        %add3A_126 = arith.constant 1024 : i32
        %add3A_127 = arith.addi %multiple_of3A, %add3A_126 : i32
        %dma_start3A_128 = tpu.memref_slice %arg5[%multiple_of3A_125] : memref<65536xf32, #tpu.memory_space<vmem>> -> memref<256xf32, #tpu.memory_space<vmem>>
        %dma_start3A_129 = tpu.memref_slice %arg4[%add3A_127] : memref<209715200xf32, #tpu.memory_space<hbm>> -> memref<256xf32, #tpu.memory_space<hbm>>
        %dma_start3A_130 = tpu.memref_slice %arg4[%add3A_127] : memref<209715200xf32, #tpu.memory_space<hbm>> -> memref<256xf32, #tpu.memory_space<hbm>>
        %dma_start3A_131 = tpu.memref_slice %arg5[%multiple_of3A_125] : memref<65536xf32, #tpu.memory_space<vmem>> -> memref<256xf32, #tpu.memory_space<vmem>>
        tpu.enqueue_dma source(%dma_start3A_131 : memref<256xf32, #tpu.memory_space<vmem>>) target(%dma_start3A_130 : memref<256xf32, #tpu.memory_space<hbm>>) target_semaphore(%arg10 : memref<!tpu.dma_semaphore, #tpu.memory_space<semaphore_mem>>)
        %slice3A_132 = vector.extract_strided_slice %get3A_82 {offsets = [5], sizes = [1], strides = [1]} : vector<16xi32> to vector<1xi32>
        %squeeze3A_133 = vector.extract %slice3A_132[0] : i32 from vector<1xi32>
        %multiple_of3A_134 = tpu.assume_multiple %squeeze3A_133, 256 : i32
        %add3A_135 = arith.constant 1280 : i32
        %add3A_136 = arith.addi %multiple_of3A, %add3A_135 : i32
        %dma_start3A_137 = tpu.memref_slice %arg5[%multiple_of3A_134] : memref<65536xf32, #tpu.memory_space<vmem>> -> memref<256xf32, #tpu.memory_space<vmem>>
        %dma_start3A_138 = tpu.memref_slice %arg4[%add3A_136] : memref<209715200xf32, #tpu.memory_space<hbm>> -> memref<256xf32, #tpu.memory_space<hbm>>
        %dma_start3A_139 = tpu.memref_slice %arg4[%add3A_136] : memref<209715200xf32, #tpu.memory_space<hbm>> -> memref<256xf32, #tpu.memory_space<hbm>>
        %dma_start3A_140 = tpu.memref_slice %arg5[%multiple_of3A_134] : memref<65536xf32, #tpu.memory_space<vmem>> -> memref<256xf32, #tpu.memory_space<vmem>>
        tpu.enqueue_dma source(%dma_start3A_140 : memref<256xf32, #tpu.memory_space<vmem>>) target(%dma_start3A_139 : memref<256xf32, #tpu.memory_space<hbm>>) target_semaphore(%arg10 : memref<!tpu.dma_semaphore, #tpu.memory_space<semaphore_mem>>)
        %slice3A_141 = vector.extract_strided_slice %get3A_82 {offsets = [6], sizes = [1], strides = [1]} : vector<16xi32> to vector<1xi32>
        %squeeze3A_142 = vector.extract %slice3A_141[0] : i32 from vector<1xi32>
        %multiple_of3A_143 = tpu.assume_multiple %squeeze3A_142, 256 : i32
        %add3A_144 = arith.constant 1536 : i32
        %add3A_145 = arith.addi %multiple_of3A, %add3A_144 : i32
        %dma_start3A_146 = tpu.memref_slice %arg5[%multiple_of3A_143] : memref<65536xf32, #tpu.memory_space<vmem>> -> memref<256xf32, #tpu.memory_space<vmem>>
        %dma_start3A_147 = tpu.memref_slice %arg4[%add3A_145] : memref<209715200xf32, #tpu.memory_space<hbm>> -> memref<256xf32, #tpu.memory_space<hbm>>
        %dma_start3A_148 = tpu.memref_slice %arg4[%add3A_145] : memref<209715200xf32, #tpu.memory_space<hbm>> -> memref<256xf32, #tpu.memory_space<hbm>>
        %dma_start3A_149 = tpu.memref_slice %arg5[%multiple_of3A_143] : memref<65536xf32, #tpu.memory_space<vmem>> -> memref<256xf32, #tpu.memory_space<vmem>>
        tpu.enqueue_dma source(%dma_start3A_149 : memref<256xf32, #tpu.memory_space<vmem>>) target(%dma_start3A_148 : memref<256xf32, #tpu.memory_space<hbm>>) target_semaphore(%arg10 : memref<!tpu.dma_semaphore, #tpu.memory_space<semaphore_mem>>)
        %slice3A_150 = vector.extract_strided_slice %get3A_82 {offsets = [7], sizes = [1], strides = [1]} : vector<16xi32> to vector<1xi32>
        %squeeze3A_151 = vector.extract %slice3A_150[0] : i32 from vector<1xi32>
        %multiple_of3A_152 = tpu.assume_multiple %squeeze3A_151, 256 : i32
        %add3A_153 = arith.constant 1792 : i32
        %add3A_154 = arith.addi %multiple_of3A, %add3A_153 : i32
        %dma_start3A_155 = tpu.memref_slice %arg5[%multiple_of3A_152] : memref<65536xf32, #tpu.memory_space<vmem>> -> memref<256xf32, #tpu.memory_space<vmem>>
        %dma_start3A_156 = tpu.memref_slice %arg4[%add3A_154] : memref<209715200xf32, #tpu.memory_space<hbm>> -> memref<256xf32, #tpu.memory_space<hbm>>
        %dma_start3A_157 = tpu.memref_slice %arg4[%add3A_154] : memref<209715200xf32, #tpu.memory_space<hbm>> -> memref<256xf32, #tpu.memory_space<hbm>>
        %dma_start3A_158 = tpu.memref_slice %arg5[%multiple_of3A_152] : memref<65536xf32, #tpu.memory_space<vmem>> -> memref<256xf32, #tpu.memory_space<vmem>>
        tpu.enqueue_dma source(%dma_start3A_158 : memref<256xf32, #tpu.memory_space<vmem>>) target(%dma_start3A_157 : memref<256xf32, #tpu.memory_space<hbm>>) target_semaphore(%arg10 : memref<!tpu.dma_semaphore, #tpu.memory_space<semaphore_mem>>)
        %slice3A_159 = vector.extract_strided_slice %get3A_82 {offsets = [8], sizes = [1], strides = [1]} : vector<16xi32> to vector<1xi32>
        %squeeze3A_160 = vector.extract %slice3A_159[0] : i32 from vector<1xi32>
        %multiple_of3A_161 = tpu.assume_multiple %squeeze3A_160, 256 : i32
        %add3A_162 = arith.constant 2048 : i32
        %add3A_163 = arith.addi %multiple_of3A, %add3A_162 : i32
        %dma_start3A_164 = tpu.memref_slice %arg5[%multiple_of3A_161] : memref<65536xf32, #tpu.memory_space<vmem>> -> memref<256xf32, #tpu.memory_space<vmem>>
        %dma_start3A_165 = tpu.memref_slice %arg4[%add3A_163] : memref<209715200xf32, #tpu.memory_space<hbm>> -> memref<256xf32, #tpu.memory_space<hbm>>
        %dma_start3A_166 = tpu.memref_slice %arg4[%add3A_163] : memref<209715200xf32, #tpu.memory_space<hbm>> -> memref<256xf32, #tpu.memory_space<hbm>>
        %dma_start3A_167 = tpu.memref_slice %arg5[%multiple_of3A_161] : memref<65536xf32, #tpu.memory_space<vmem>> -> memref<256xf32, #tpu.memory_space<vmem>>
        tpu.enqueue_dma source(%dma_start3A_167 : memref<256xf32, #tpu.memory_space<vmem>>) target(%dma_start3A_166 : memref<256xf32, #tpu.memory_space<hbm>>) target_semaphore(%arg10 : memref<!tpu.dma_semaphore, #tpu.memory_space<semaphore_mem>>)
        %slice3A_168 = vector.extract_strided_slice %get3A_82 {offsets = [9], sizes = [1], strides = [1]} : vector<16xi32> to vector<1xi32>
        %squeeze3A_169 = vector.extract %slice3A_168[0] : i32 from vector<1xi32>
        %multiple_of3A_170 = tpu.assume_multiple %squeeze3A_169, 256 : i32
        %add3A_171 = arith.constant 2304 : i32
        %add3A_172 = arith.addi %multiple_of3A, %add3A_171 : i32
        %dma_start3A_173 = tpu.memref_slice %arg5[%multiple_of3A_170] : memref<65536xf32, #tpu.memory_space<vmem>> -> memref<256xf32, #tpu.memory_space<vmem>>
        %dma_start3A_174 = tpu.memref_slice %arg4[%add3A_172] : memref<209715200xf32, #tpu.memory_space<hbm>> -> memref<256xf32, #tpu.memory_space<hbm>>
        %dma_start3A_175 = tpu.memref_slice %arg4[%add3A_172] : memref<209715200xf32, #tpu.memory_space<hbm>> -> memref<256xf32, #tpu.memory_space<hbm>>
        %dma_start3A_176 = tpu.memref_slice %arg5[%multiple_of3A_170] : memref<65536xf32, #tpu.memory_space<vmem>> -> memref<256xf32, #tpu.memory_space<vmem>>
        tpu.enqueue_dma source(%dma_start3A_176 : memref<256xf32, #tpu.memory_space<vmem>>) target(%dma_start3A_175 : memref<256xf32, #tpu.memory_space<hbm>>) target_semaphore(%arg10 : memref<!tpu.dma_semaphore, #tpu.memory_space<semaphore_mem>>)
        %slice3A_177 = vector.extract_strided_slice %get3A_82 {offsets = [10], sizes = [1], strides = [1]} : vector<16xi32> to vector<1xi32>
        %squeeze3A_178 = vector.extract %slice3A_177[0] : i32 from vector<1xi32>
        %multiple_of3A_179 = tpu.assume_multiple %squeeze3A_178, 256 : i32
        %add3A_180 = arith.constant 2560 : i32
        %add3A_181 = arith.addi %multiple_of3A, %add3A_180 : i32
        %dma_start3A_182 = tpu.memref_slice %arg5[%multiple_of3A_179] : memref<65536xf32, #tpu.memory_space<vmem>> -> memref<256xf32, #tpu.memory_space<vmem>>
        %dma_start3A_183 = tpu.memref_slice %arg4[%add3A_181] : memref<209715200xf32, #tpu.memory_space<hbm>> -> memref<256xf32, #tpu.memory_space<hbm>>
        %dma_start3A_184 = tpu.memref_slice %arg4[%add3A_181] : memref<209715200xf32, #tpu.memory_space<hbm>> -> memref<256xf32, #tpu.memory_space<hbm>>
        %dma_start3A_185 = tpu.memref_slice %arg5[%multiple_of3A_179] : memref<65536xf32, #tpu.memory_space<vmem>> -> memref<256xf32, #tpu.memory_space<vmem>>
        tpu.enqueue_dma source(%dma_start3A_185 : memref<256xf32, #tpu.memory_space<vmem>>) target(%dma_start3A_184 : memref<256xf32, #tpu.memory_space<hbm>>) target_semaphore(%arg10 : memref<!tpu.dma_semaphore, #tpu.memory_space<semaphore_mem>>)
        %slice3A_186 = vector.extract_strided_slice %get3A_82 {offsets = [11], sizes = [1], strides = [1]} : vector<16xi32> to vector<1xi32>
        %squeeze3A_187 = vector.extract %slice3A_186[0] : i32 from vector<1xi32>
        %multiple_of3A_188 = tpu.assume_multiple %squeeze3A_187, 256 : i32
        %add3A_189 = arith.constant 2816 : i32
        %add3A_190 = arith.addi %multiple_of3A, %add3A_189 : i32
        %dma_start3A_191 = tpu.memref_slice %arg5[%multiple_of3A_188] : memref<65536xf32, #tpu.memory_space<vmem>> -> memref<256xf32, #tpu.memory_space<vmem>>
        %dma_start3A_192 = tpu.memref_slice %arg4[%add3A_190] : memref<209715200xf32, #tpu.memory_space<hbm>> -> memref<256xf32, #tpu.memory_space<hbm>>
        %dma_start3A_193 = tpu.memref_slice %arg4[%add3A_190] : memref<209715200xf32, #tpu.memory_space<hbm>> -> memref<256xf32, #tpu.memory_space<hbm>>
        %dma_start3A_194 = tpu.memref_slice %arg5[%multiple_of3A_188] : memref<65536xf32, #tpu.memory_space<vmem>> -> memref<256xf32, #tpu.memory_space<vmem>>
        tpu.enqueue_dma source(%dma_start3A_194 : memref<256xf32, #tpu.memory_space<vmem>>) target(%dma_start3A_193 : memref<256xf32, #tpu.memory_space<hbm>>) target_semaphore(%arg10 : memref<!tpu.dma_semaphore, #tpu.memory_space<semaphore_mem>>)
        %slice3A_195 = vector.extract_strided_slice %get3A_82 {offsets = [12], sizes = [1], strides = [1]} : vector<16xi32> to vector<1xi32>
        %squeeze3A_196 = vector.extract %slice3A_195[0] : i32 from vector<1xi32>
        %multiple_of3A_197 = tpu.assume_multiple %squeeze3A_196, 256 : i32
        %add3A_198 = arith.constant 3072 : i32
        %add3A_199 = arith.addi %multiple_of3A, %add3A_198 : i32
        %dma_start3A_200 = tpu.memref_slice %arg5[%multiple_of3A_197] : memref<65536xf32, #tpu.memory_space<vmem>> -> memref<256xf32, #tpu.memory_space<vmem>>
        %dma_start3A_201 = tpu.memref_slice %arg4[%add3A_199] : memref<209715200xf32, #tpu.memory_space<hbm>> -> memref<256xf32, #tpu.memory_space<hbm>>
        %dma_start3A_202 = tpu.memref_slice %arg4[%add3A_199] : memref<209715200xf32, #tpu.memory_space<hbm>> -> memref<256xf32, #tpu.memory_space<hbm>>
        %dma_start3A_203 = tpu.memref_slice %arg5[%multiple_of3A_197] : memref<65536xf32, #tpu.memory_space<vmem>> -> memref<256xf32, #tpu.memory_space<vmem>>
        tpu.enqueue_dma source(%dma_start3A_203 : memref<256xf32, #tpu.memory_space<vmem>>) target(%dma_start3A_202 : memref<256xf32, #tpu.memory_space<hbm>>) target_semaphore(%arg10 : memref<!tpu.dma_semaphore, #tpu.memory_space<semaphore_mem>>)
        %slice3A_204 = vector.extract_strided_slice %get3A_82 {offsets = [13], sizes = [1], strides = [1]} : vector<16xi32> to vector<1xi32>
        %squeeze3A_205 = vector.extract %slice3A_204[0] : i32 from vector<1xi32>
        %multiple_of3A_206 = tpu.assume_multiple %squeeze3A_205, 256 : i32
        %add3A_207 = arith.constant 3328 : i32
        %add3A_208 = arith.addi %multiple_of3A, %add3A_207 : i32
        %dma_start3A_209 = tpu.memref_slice %arg5[%multiple_of3A_206] : memref<65536xf32, #tpu.memory_space<vmem>> -> memref<256xf32, #tpu.memory_space<vmem>>
        %dma_start3A_210 = tpu.memref_slice %arg4[%add3A_208] : memref<209715200xf32, #tpu.memory_space<hbm>> -> memref<256xf32, #tpu.memory_space<hbm>>
        %dma_start3A_211 = tpu.memref_slice %arg4[%add3A_208] : memref<209715200xf32, #tpu.memory_space<hbm>> -> memref<256xf32, #tpu.memory_space<hbm>>
        %dma_start3A_212 = tpu.memref_slice %arg5[%multiple_of3A_206] : memref<65536xf32, #tpu.memory_space<vmem>> -> memref<256xf32, #tpu.memory_space<vmem>>
        tpu.enqueue_dma source(%dma_start3A_212 : memref<256xf32, #tpu.memory_space<vmem>>) target(%dma_start3A_211 : memref<256xf32, #tpu.memory_space<hbm>>) target_semaphore(%arg10 : memref<!tpu.dma_semaphore, #tpu.memory_space<semaphore_mem>>)
        %slice3A_213 = vector.extract_strided_slice %get3A_82 {offsets = [14], sizes = [1], strides = [1]} : vector<16xi32> to vector<1xi32>
        %squeeze3A_214 = vector.extract %slice3A_213[0] : i32 from vector<1xi32>
        %multiple_of3A_215 = tpu.assume_multiple %squeeze3A_214, 256 : i32
        %add3A_216 = arith.constant 3584 : i32
        %add3A_217 = arith.addi %multiple_of3A, %add3A_216 : i32
        %dma_start3A_218 = tpu.memref_slice %arg5[%multiple_of3A_215] : memref<65536xf32, #tpu.memory_space<vmem>> -> memref<256xf32, #tpu.memory_space<vmem>>
        %dma_start3A_219 = tpu.memref_slice %arg4[%add3A_217] : memref<209715200xf32, #tpu.memory_space<hbm>> -> memref<256xf32, #tpu.memory_space<hbm>>
        %dma_start3A_220 = tpu.memref_slice %arg4[%add3A_217] : memref<209715200xf32, #tpu.memory_space<hbm>> -> memref<256xf32, #tpu.memory_space<hbm>>
        %dma_start3A_221 = tpu.memref_slice %arg5[%multiple_of3A_215] : memref<65536xf32, #tpu.memory_space<vmem>> -> memref<256xf32, #tpu.memory_space<vmem>>
        tpu.enqueue_dma source(%dma_start3A_221 : memref<256xf32, #tpu.memory_space<vmem>>) target(%dma_start3A_220 : memref<256xf32, #tpu.memory_space<hbm>>) target_semaphore(%arg10 : memref<!tpu.dma_semaphore, #tpu.memory_space<semaphore_mem>>)
        %slice3A_222 = vector.extract_strided_slice %get3A_82 {offsets = [15], sizes = [1], strides = [1]} : vector<16xi32> to vector<1xi32>
        %squeeze3A_223 = vector.extract %slice3A_222[0] : i32 from vector<1xi32>
        %multiple_of3A_224 = tpu.assume_multiple %squeeze3A_223, 256 : i32
        %add3A_225 = arith.constant 3840 : i32
        %add3A_226 = arith.addi %multiple_of3A, %add3A_225 : i32
        %dma_start3A_227 = tpu.memref_slice %arg5[%multiple_of3A_224] : memref<65536xf32, #tpu.memory_space<vmem>> -> memref<256xf32, #tpu.memory_space<vmem>>
        %dma_start3A_228 = tpu.memref_slice %arg4[%add3A_226] : memref<209715200xf32, #tpu.memory_space<hbm>> -> memref<256xf32, #tpu.memory_space<hbm>>
        %dma_start3A_229 = tpu.memref_slice %arg4[%add3A_226] : memref<209715200xf32, #tpu.memory_space<hbm>> -> memref<256xf32, #tpu.memory_space<hbm>>
        %dma_start3A_230 = tpu.memref_slice %arg5[%multiple_of3A_224] : memref<65536xf32, #tpu.memory_space<vmem>> -> memref<256xf32, #tpu.memory_space<vmem>>
        tpu.enqueue_dma source(%dma_start3A_230 : memref<256xf32, #tpu.memory_space<vmem>>) target(%dma_start3A_229 : memref<256xf32, #tpu.memory_space<hbm>>) target_semaphore(%arg10 : memref<!tpu.dma_semaphore, #tpu.memory_space<semaphore_mem>>)
      }
      %scan3A_78 = arith.constant 8 : i32
    }
    %scan3A_14 = arith.constant 100 : i32
    %mul3A_15 = arith.constant 256 : i32
    %mul3A_16 = arith.muli %mul3A_2, %mul3A_15 : i32
    %dma_wait3A = arith.constant 0 : i32
    %dma_wait3A_17 = tpu.memref_slice %arg5[%dma_wait3A] : memref<65536xf32, #tpu.memory_space<vmem>> -> memref<32768xf32, #tpu.memory_space<vmem>>
    %dma_wait3A_18 = tpu.memref_slice %arg4[%mul3A_16] : memref<209715200xf32, #tpu.memory_space<hbm>> -> memref<32768xf32, #tpu.memory_space<hbm>>
    %dma_wait3A_19 = tpu.memref_slice %arg4[%mul3A_16] : memref<209715200xf32, #tpu.memory_space<hbm>> -> memref<32768xf32, #tpu.memory_space<hbm>>
    %dma_wait3A_20 = arith.constant 0 : i32
    %dma_wait3A_21 = tpu.memref_slice %arg5[%dma_wait3A_20] : memref<65536xf32, #tpu.memory_space<vmem>> -> memref<32768xf32, #tpu.memory_space<vmem>>
    tpu.wait_dma2 semaphore(%arg10 : memref<!tpu.dma_semaphore, #tpu.memory_space<semaphore_mem>>) src(%dma_wait3A_21 : memref<32768xf32, #tpu.memory_space<vmem>>) dst(%dma_wait3A_19 : memref<32768xf32, #tpu.memory_space<hbm>>)
    return
  }
}

</mosaic_0001>

<sc_bundles>
// kernel: kernel.3.cloned.1.call-start
scs
__scs_entry_jumppad:
0x0: {  	(pc) =	sbr.rel $0x88, $3  }
0x1: {  	(tag) =	ssettag $0x0;
	lr =	simm.s32 $0x1  }
0x2: {  	[smem:$0x3F9F] =	sst lr;
	_ =	strace $0xD0000000  }
0x3: {  	_ = 	snop  }
0x4: {  	_ = 	snop  }
0x5: {  	_ = 	snop  }
0x6: {  	_ = 	snop  }
0x7: {  	_ = 	snop  }
__scs_overlays_trampoline_lowered:
0x8: {  	[smem:$0x3FAE] =	sst s0  }
0x9: {  	[smem:$0x3FAF] =	sst s1  }
0xa: {  	[smem:$0x3FB0] =	sst s2  }
0xb: {  	[smem:$0x3FB1] =	sst s3  }
0xc: {  	[smem:$0x3FB2] =	sst s4  }
0xd: {  	[smem:$0x3FB3] =	sst s5  }
0xe: {  	[smem:$0x3FB4] =	sst s6  }
0xf: {  	[smem:$0x3FB5] =	sst s7  }
0x10: {  	[smem:$0x3FB6] =	sst s8  }
0x11: {  	[smem:$0x3FB7] =	sst s9;
	s0 =	simm.s32 @!p0 $0x0  }
0x12: {  	s1 =	sld [smem:$0x3F9D];
	s0 =	simm.s32 @p0 $0x1  }
0x13: {  	[smem:$0x3FB8] =	sst s0;
	s0 =	simm.s32 @!p1 $0x0  }
0x14: {  	s2 =	sld [smem:$0x3F9C];
	s0 =	simm.s32 @p1 $0x1  }
0x15: {  	[smem:$0x3FB9] =	sst s0;
	s0 =	simm.s32 @!p2 $0x0  }
0x16: {  	s3 =	sld [smem:$0x3FDB];
	s0 =	simm.s32 @p2 $0x1  }
0x17: {  	s4 =	simm.s32 $0x1BF5;
	[smem:$0x3FBB] =	sst s0  }
0x18: {  	s0 =	sld [smem:$0x3F9E];
	_ =	swait.ge [sflag:s4], $0x0  }
0x19: {  	s7 =	sld [smem:$0x3F9F]  }
0x1a: {  	s8 =	sadd.s32 $0xFFFFE003, lr  }
0x1b: {  	s9 =	sadd.s32 $0xFFFFFEF7, lr;
	s5 =	simm.s32 $0xFFFFFFFF;
	p2 =	slt.u32 s8, $0xFFFFF086  }
0x1c: {  	p1 =	slt.u32 s9, $0xF7A;
	s5 =	simm.s32 @!p2 $0x0  }
0x1d: {  	s5 =	simm.s32 @p1 $0x1;
	p0 =	seq.s32 s7, s2  }
0x1e: {  	s7 =	smul.u32 @!p0 $0xF7A, s2;
	p2 =	seq.s32 @!p0 s5, $0x0  }
0x1f: {  	s9 =	smul.u32 $0xF7A, s1;
	s8 =	simm.s32 @!p0 $0x1BF5;
	p2 =	por !p2, p0  }
0x20: {  	[sflag:s8] =	ssyncset.s32 @!p0 $0xFFFFF086;
	s6 =	sadd.s32 @!p0 s3, s7;
	s7 =	simm.s32 @!p0 $0x108  }
0x21: {  	s3 =	sadd.s32 s3, s9;
	s6 =	sadd.s32 @!p0 $0x88, s6;
	s7 =	simm.s32 @p2 $0x1082  }
0x22: {  	[simem:s7], [sflag:s8] =	dma.local @!p0 [hbm:s6], $0xF7A  }
0x23: {  	s9 =	sor.u32 $0xD0000000, s2;
	s6 =	simm.s32 $0x108;
	_ =	swait.ge @!p0 [sflag:s8], $0x0  }
0x24: {  	s3 =	sadd.s32 $0x88, s3;
	s6 =	simm.s32 @!p1 $0x1082;
	[sflag:s4] =	ssyncset.s32 $0xFFFFF086  }
0x25: {  	[simem:s6], [sflag:s4] =	dma.local [hbm:s3], $0xF7A  }
0x26: {  	[smem:$0x3F9F] =	sst s1;
	(tag) =	ssettag s2;
	_ =	strace s9  }
0x27: {  	s1 =	sld [smem:$0x3FAF]  }
0x28: {  	s2 =	sld [smem:$0x3FB0]  }
0x29: {  	s4 =	sld [smem:$0x3FB2]  }
0x2a: {  	p0 =	seq.s32 s5, $0x0;
	s5 =	sld [smem:$0x3FB3]  }
0x2b: {  	s6 =	sld [smem:$0x3FB4]  }
0x2c: {  	s7 =	sld [smem:$0x3FB5]  }
0x2d: {  	s3 =	simm.s32 $0x108;
	s8 =	sld [smem:$0x3FB6]  }
0x2e: {  	s3 =	simm.s32 @!p0 $0x1082;
	s9 =	sld [smem:$0x3FB7]  }
0x2f: {  	lr =	sadd.s32 s0, s3;
	s0 =	sld [smem:$0x3FAE]  }
0x30: {  	s3 =	sld [smem:$0x3FB1]  }
0x31: {  	[smem:$0x3FBA] =	sst s10  }
0x32: {  	s10 =	sld [smem:$0x3FB8];
	_ =	sdelay $0x3  }
0x33: {  	p0 =	seq.s32 s10, $0x1;
	s10 =	sld [smem:$0x3FBA];
	_ =	sdelay $0x3  }
0x34: {  	[smem:$0x3FBA] =	sst s10  }
0x35: {  	s10 =	sld [smem:$0x3FB9];
	_ =	sdelay $0x3  }
0x36: {  	p1 =	seq.s32 s10, $0x1;
	s10 =	sld [smem:$0x3FBA];
	_ =	sdelay $0x3  }
0x37: {  	[smem:$0x3FBA] =	sst s10  }
0x38: {  	s10 =	sld [smem:$0x3FBB]  }
0x39: {  	_ = 	snop;
	(pc) =	sbr.ind lr, $3  }
0x3a: {  	_ = 	snop  }
0x3b: {  	_ = 	snop  }
0x3c: {  	p2 =	seq.s32 s10, $0x1;
	s10 =	sld [smem:$0x3FBA]  }
0x3d: {  	_ =	shalt  }
0x3e: {  	_ =	shalt  }
0x3f: {  	_ =	shalt  }
0x40: {  	_ =	shalt  }
0x41: {  	_ =	shalt  }
0x42: {  	_ =	shalt  }
0x43: {  	_ =	shalt  }
0x44: {  	_ =	shalt  }
0x45: {  	_ =	shalt  }
0x46: {  	_ =	shalt  }
0x47: {  	_ =	shalt  }
0x48: {  	_ =	shalt  }
0x49: {  	_ =	shalt  }
0x4a: {  	_ =	shalt  }
0x4b: {  	_ =	shalt  }
0x4c: {  	_ =	shalt  }
0x4d: {  	_ =	shalt  }
0x4e: {  	_ =	shalt  }
0x4f: {  	_ =	shalt  }
0x50: {  	_ =	shalt  }
0x51: {  	_ =	shalt  }
0x52: {  	_ =	shalt  }
0x53: {  	_ =	shalt  }
0x54: {  	_ =	shalt  }
0x55: {  	_ =	shalt  }
0x56: {  	_ =	shalt  }
0x57: {  	_ =	shalt  }
0x58: {  	_ =	shalt  }
0x59: {  	_ =	shalt  }
0x5a: {  	_ =	shalt  }
0x5b: {  	_ =	shalt  }
0x5c: {  	_ =	shalt  }
0x5d: {  	_ =	shalt  }
0x5e: {  	_ =	shalt  }
0x5f: {  	_ =	shalt  }
0x60: {  	_ =	shalt  }
0x61: {  	_ =	shalt  }
0x62: {  	_ =	shalt  }
0x63: {  	_ =	shalt  }
0x64: {  	_ =	shalt  }
0x65: {  	_ =	shalt  }
0x66: {  	_ =	shalt  }
0x67: {  	_ =	shalt  }
0x68: {  	_ =	shalt  }
0x69: {  	_ =	shalt  }
0x6a: {  	_ =	shalt  }
0x6b: {  	_ =	shalt  }
0x6c: {  	_ =	shalt  }
0x6d: {  	_ =	shalt  }
0x6e: {  	_ =	shalt  }
0x6f: {  	_ =	shalt  }
0x70: {  	_ =	shalt  }
0x71: {  	_ =	shalt  }
0x72: {  	_ =	shalt  }
0x73: {  	_ =	shalt  }
0x74: {  	_ =	shalt  }
0x75: {  	_ =	shalt  }
0x76: {  	_ =	shalt  }
0x77: {  	_ =	shalt  }
0x78: {  	_ =	shalt  }
0x79: {  	_ =	shalt  }
0x7a: {  	_ =	shalt  }
0x7b: {  	_ =	shalt  }
0x7c: {  	_ =	shalt  }
0x7d: {  	_ =	shalt  }
0x7e: {  	_ =	shalt  }
0x7f: {  	_ =	shalt  }
0x80: {  	_ =	shalt  }
0x81: {  	_ =	shalt  }
0x82: {  	_ =	shalt  }
0x83: {  	_ =	shalt  }
0x84: {  	_ =	shalt  }
0x85: {  	_ =	shalt  }
0x86: {  	_ =	shalt  }
0x87: {  	_ =	shalt  }
.Lfunc_end0:
.L_simem_size_0:
called_computation_lowered:
.L_overlay_start_0:
0x88: {  	s2 =	sld [smem:$0x3FD9]  }
0x89: {  	s3 =	sld [smem:$0x3FFE];
	_ =	sdelay $0x1  }
0x8a: {  	s1 =	srdreg.scid  }
0x8b: {  	s0 =	sand.u32 $0x1, s1  }
0x8c: {  	s17 =	sshll.u32 s0, $0xA;
	s2 =	sadd.s32 s3, s2  }
0x8d: {  	s2 =	sadd.s32 s2, s17  }
0x8e: {  	[smem:$0x3FC6] =	sst s2  }
0x8f: {  	_ = 	snop  }
0x90: {  	s2 =	sld [smem:$0x3FD0];
	(tm) =	ssettm $0x1  }
0x91: {  	s18 =	sld [smem:$0x3FFB];
	_ =	sdelay $0x3  }
0x92: {  	_ =	strace s18  }
0x93: {  	s3 =	sld [smem:$0x3FFC];
	_ =	sdelay $0x3  }
0x94: {  	_ =	strace s3  }
0x95: {  	s3 =	sld [smem:$0x3FFD];
	_ =	sdelay $0x3  }
0x96: {  	_ =	strace s3  }
0x97: {  	_ =	strace $0x8FFFFFFF  }
0x98: {  	s19 =	sld [smem:$0x3FDB];
	_ =	sdelay $0x1  }
0x99: {  	s4 =	simm.s32 $_scs_section_size  }
0x9a: {  	s5 =	simm.s32 $_size__tile_overlayer_lowered;
	s6 =	simm.s32 $_tile_overlayer_lowered  }
0x9b: {  	s22 =	simm.s32 $0x1BFF;
	s21 =	sshll.u32 s6, $0x1;
	s3 =	sadd.s32 s4, s19  }
0x9c: {  	s7 =	simm.s32 $0x0;
	s20 =	sshll.u32 s5, $0x1;
	s5 =	sadd.s32 s21, s3  }
0x9d: {  	[timem:s7], [sflag:s22] =	dma.local [hbm:s5], s20  }
0x9e: {  	_ =	swait.ge [sflag:s22], s20  }
0x9f: {  	s4 =	ssub.s32 $0x0, s20;
	[sflag:s22] =	ssyncset.done $0x0  }
0xa0: {  	[sflag:s22] =	ssyncadd.s32 s4;
	_ =	sdelay $0x1  }
0xa1: {  	s23 =	simm.s32 $0x1B8B  }
0xa2: {  	_ =	swait.ge [sflag:s23], $0x1  }
0xa3: {  	[sflag:s23] =	ssyncset.done $0x0  }
0xa4: {  	s25 =	simm.s32 $0x1B8E;
	s24 =	sld [smem:$0x3FFE];
	[sflag:s23] =	ssyncadd.s32 $0xFFFFFFFF  }
0xa5: {  	s26 =	simm.s32 $execute0_lowered;
	[smem:$0x3FD2] =	sst s25  }
0xa6: {  	s5 =	sshll.u32 s26, $0x1;
	_ =	strace $0x80000046;
	[dreg:$0x1] =	wrdreg $0xFFFFFFFF  }
0xa7: {  	s28 =	simm.s32 $_size_execute0_lowered;
	s3 =	sadd.s32 s3, s5;
	[dreg:$0x0] =	wrdreg $0x0  }
0xa8: {  	s5 =	sshll.u32 s28, $0x1;
	[dreg:$0x2] =	wrdreg s3  }
0xa9: {  	[dreg:$0x3] =	wrdreg s5  }
0xaa: {  	[dreg:$0x4] =	wrdreg $0xC0  }
0xab: {  	_ =	task [dreg:s7], $0x5FFFF  }
0xac: {  	[dreg:$0x1] =	wrdreg $0xFFFFFFFF  }
0xad: {  	[dreg:$0x0] =	wrdreg $0x60  }
0xae: {  	[dreg:$0x2] =	wrdreg s2  }
0xaf: {  	[dreg:$0x3] =	wrdreg s24  }
0xb0: {  	[dreg:$0x4] =	wrdreg $0x9  }
0xb1: {  	_ =	task.clear_ibuf [dreg:s7], $0x5FFFF;
	_ =	strace $0x90000046  }
0xb2: {  	s29 =	simm.s32 $0x9;
	_ =	strace $0x80000048  }
0xb3: {  	_ =	swait.ge [sflag:s29], $0x1  }
0xb4: {  	[sflag:s29] =	ssyncadd.s32 $0xFFFFFFFF  }
0xb5: {  	_ =	strace $0x90000048  }
0xb6: {  	_ =	sfence  }
0xb7: {  	s30 =	sld [smem:$0x0];
	_ =	sdelay $0x2  }
0xb8: {  	s31 =	sshll.u32 s1, $0xD;
	s1 =	sshrl.u32 s1, $0x2  }
0xb9: {  	s3 =	sand.u32 $0x4000, s31;
	s1 =	sadd.s32 s1, s30  }
0xba: {  	s0 =	sor.u32 s3, s0;
	s1 =	sshll.u32 s1, $0x11  }
0xbb: {  	s0 =	sor.u32 s1, s0  }
0xbc: {  	s0 =	sadd.s32 $0x8F2B, s0  }
0xbd: {  	[sflag:s0] =	ssyncadd.remote.s32 $0x1  }
0xbe: {  	_ =	sfence.sel $0xFFFF  }
0xbf: {  	[dreg:$0x0] =	wrdreg $0xFFFFFFFF;
	(pc) =	sbr.abs _section_cstart, $3  }
0xc0: {  	[dreg:$0x1] =	wrdreg $0xFFFFFFFF  }
0xc1: {  	_ =	task.clear_ibuf [dreg:s7], $0x2FFFF;
	_ =	strace $0x9FFFFFFF  }
0xc2: {  	(tm) =	ssettm $0x7FFFFFFF  }
0xc3: {  	_ =	shalt  }
tec
execute0_lowered:
.L_overlay_start_1:
0x0: {  	(tag) =	ssettag $0x1  }
0x1: {  	s2 =	rddreg [dreg:$0x0]  }
0x2: {  	s5 =	rddreg [dreg:$0x1]  }
0x3: {  	s0 =	rddreg [dreg:$0x2]  }
0x4: {  	s4 =	srdreg.scid;
	s1 =	stileid.u32;
	s3 =	simm.s32 $0x0  }
0x5: {  	s15 =	simm.s32 $0x10080;
	s16 =	simm.s32 $0x1;
	s11 =	smul.u32 $0xC800, s1  }
0x6: {  	s17 =	simm.s32 $0x2;
	s8 =	sand.u32 $0x1, s4;
	s13 =	smul.u32 $0x190000, s1  }
0x7: {  	s18 =	simm.s32 $0x0;
	s31 =	sshll.u32 s1, $0x1;
	s12 =	smul.u32 $0x6400, s8  }
0x8: {  	[smem:$0x7FF] =	sst s3;
	s4 =	sor.u32 s8, s31;
	s14 =	smul.u32 $0xC8000, s8  }
0x9: {  	_ =	strace $0x80000047;
	s7 =	ssub.s32 $0x2, s8;
	s9 =	smul.u32 $0x6400, s4  }
0xa: {  	s4 =	sadd.s32 $0x400, s5;
	s5 =	sadd.s32 $0x2400, s5;
	s10 =	sshrl.u32 s7, $0x1  }
0xb: {  	s10 =	ssub.s32 s7, s10;
	s13 =	sadd.s32 s13, s5;
	s11 =	sadd.s32 s12, s11  }
0xc: {  	s6 =	sshrl.u32 s9, $0x3;
	s8 =	sor.u32 $0x100, s9;
	s9 =	sor.u32 $0x180, s9  }
0xd: {  	s10 =	smax.u32 s10, $0x1;
	s12 =	sadd.s32 s14, s13;
	s6 =	sadd.s32 s2, s6  }
0xe: {  	s13 =	simm.s32 $0x3;
	s14 =	simm.s32 $0x10000;
	s7 =	sadd.s32 $0x10, s6  }
.LBB2_1:
0xf: {  	[tilespmem:s3], [sflag:$0x3] =	stream.linear.gather [hbm4b:s4+s3], $0x10000, $0x38;
	[tilespmem:$0x10180] =	vst v63  }
0x10: {  	_ =	swait.ge [sflag:s13], $0x10000  }
0x11: {  	[sflag:s13] =	ssyncset.done $0x0  }
0x12: {  	[sflag:s13] =	ssyncadd.s32 $0xFFFF0000  }
0x13: {  	[tilespmem:s14], [sflag:$0x1] =	stream.linear.gather [hbm4b:s6+s3], $0x80, $0x38;
	[tilespmem:$0x10180] =	vst v63  }
0x14: {  	s19 =	simm.s32 $0x0  }
0x15: {  	[tilespmem:s15], [sflag:$0x1] =	stream.linear.gather [hbm4b:s7+s3], $0x80, $0x38;
	[tilespmem:$0x10180] =	vst v63  }
.LBB2_2:
0x16: {  	_ =	swait.ge [sflag:s16], $0x80  }
0x17: {  	[sflag:s16] =	ssyncset.done $0x0  }
0x18: {  	[sflag:s16] =	ssyncadd.s32 $0xFFFFFF80  }
0x19: {  	v0 =	vld [tilespmem:$0x10000]  }
0x1a: {  	v1 =	vld [tilespmem:$0x10010]  }
0x1b: {  	v2 =	vld [tilespmem:$0x10020]  }
0x1c: {  	v3 =	vld [tilespmem:$0x10030]  }
0x1d: {  	v4 =	vld [tilespmem:$0x10040]  }
0x1e: {  	v5 =	vld [tilespmem:$0x10050]  }
0x1f: {  	v6 =	vld [tilespmem:$0x10060]  }
0x20: {  	v7 =	vld [tilespmem:$0x10070]  }
0x21: {  	v0 =	vadd.f32 $-5.000000000e+01, v0;
	v1 =	vadd.f32 $-5.000000000e+01, v1  }
0x22: {  	v2 =	vadd.f32 $-5.000000000e+01, v2;
	v3 =	vadd.f32 $-5.000000000e+01, v3  }
0x23: {  	v4 =	vadd.f32 $-5.000000000e+01, v4;
	v5 =	vadd.f32 $-5.000000000e+01, v5;
	v0 =	vmul.f32 $2.857142830e-03, v0  }
0x24: {  	v6 =	vadd.f32 $-5.000000000e+01, v6;
	v1 =	vmul.f32 $2.857142830e-03, v1;
	v2 =	vmul.f32 $2.857142830e-03, v2  }
0x25: {  	v7 =	vadd.f32 $-5.000000000e+01, v7;
	v3 =	vmul.f32 $2.857142830e-03, v3;
	v4 =	vmul.f32 $2.857142830e-03, v4  }
0x26: {  	v5 =	vmul.f32 $2.857142830e-03, v5;
	v6 =	vmul.f32 $2.857142830e-03, v6  }
0x27: {  	v7 =	vmul.f32 $2.857142830e-03, v7;
	v0 =	vmax.f32 v0, $0.0e+00;
	v1 =	vmax.f32 v1, $0.0e+00  }
0x28: {  	v2 =	vmax.f32 v2, $0.0e+00;
	v3 =	vmax.f32 v3, $0.0e+00;
	v4 =	vmax.f32 v4, $0.0e+00  }
0x29: {  	v5 =	vmax.f32 v5, $0.0e+00;
	v6 =	vmax.f32 v6, $0.0e+00;
	v7 =	vmax.f32 v7, $0.0e+00  }
0x2a: {  	v0 =	vmin.f32 v0, $1.000000000e+00;
	v1 =	vmin.f32 v1, $1.000000000e+00;
	v2 =	vmin.f32 v2, $1.000000000e+00  }
0x2b: {  	v3 =	vmin.f32 v3, $1.000000000e+00;
	v4 =	vmin.f32 v4, $1.000000000e+00;
	v0 =	vmul.f32 $2.550000000e+02, v0  }
0x2c: {  	v5 =	vmin.f32 v5, $1.000000000e+00;
	v1 =	vmul.f32 $2.550000000e+02, v1;
	v2 =	vmul.f32 $2.550000000e+02, v2  }
0x2d: {  	v6 =	vmin.f32 v6, $1.000000000e+00;
	v3 =	vmul.f32 $2.550000000e+02, v3;
	v4 =	vmul.f32 $2.550000000e+02, v4  }
0x2e: {  	v52 =	vmin.f32 v7, $1.000000000e+00;
	v5 =	vmul.f32 $2.550000000e+02, v5;
	v51 =	vmul.f32 $2.550000000e+02, v6  }
0x2f: {  	v55 =	vmul.f32 $2.550000000e+02, v52;
	v0 =	vtrunc.f32 v0  }
0x30: {  	v1 =	vtrunc.f32 v1;
	v0 =	vcvt.f32.s32 v0  }
0x31: {  	v2 =	vtrunc.f32 v2;
	v1 =	vcvt.f32.s32 v1  }
0x32: {  	v3 =	vtrunc.f32 v3;
	v2 =	vcvt.f32.s32 v2;
	v0 =	vshll.u32 v0, $0x8  }
0x33: {  	v57 =	vtrunc.f32 v51;
	v3 =	vcvt.f32.s32 v3;
	v1 =	vshll.u32 v1, $0x8;
	[tilespmem:$0x10100] =	vst v0  }
0x34: {  	p0 =	seq.s32 s19, $0x63;
	v59 =	vtrunc.f32 v55;
	v58 =	vcvt.f32.s32 v57;
	v53 =	vshll.u32 v2, $0x8;
	[tilespmem:$0x10110] =	vst v1  }
0x35: {  	p1 =	seq.s32 @!p0 s19, $0x0;
	v4 =	vtrunc.f32 v4;
	v61 =	vcvt.f32.s32 v59;
	v56 =	vshll.u32 v3, $0x8;
	[tilespmem:$0x10120] =	vst v53  }
0x36: {  	p1 =	por p0, !p1;
	v54 =	vtrunc.f32 v5;
	v50 =	vcvt.f32.s32 v4;
	v62 =	vshll.u32 v58, $0x8;
	[tilespmem:$0x10130] =	vst v56  }
.Ltmp0:
0x37: {  	s20 =	sshll.u32 @!p0 s19, $0x8;
	v2 =	vcvt.f32.s32 v54;
	v63 =	vshll.u32 v61, $0x8;
	[tilespmem:$0x10160] =	vst v62;
	(pc) =	sbr.rel @!p1 .LBB2_4-.Ltmp0, $4  }
0x38: {  	s21 =	sadd.s32 @!p0 s20, s8;
	v0 =	vshll.u32 v50, $0x8;
	[tilespmem:$0x10170] =	vst v63  }
0x39: {  	s21 =	sshrl.u32 @!p0 s21, $0x3;
	[tilespmem:$0x10140] =	vst v0;
	v60 =	vshll.u32 v2, $0x8  }
0x3a: {  	s23 =	simm.s32 @!p0 $0x10000;
	s22 =	sadd.s32 @!p0 s2, s21;
	s21 =	simm.s32 @!p0 $0x0;
	[tilespmem:$0x10150] =	vst v60  }
0x3b: {  	[tilespmem:s23], [sflag:$0x1] =	stream.linear.gather @!p0 [hbm4b:s22+s21], $0x80, $0x38;
	[tilespmem:$0x10180] =	vst v63  }
0x3c: {  	_ =	swait.ge [sflag:s17], $0x8000  }
0x3d: {  	s20 =	simm.s32 @p0 $0x6300;
	[sflag:s17] =	ssyncset.done $0x0  }
0x3e: {  	s21 =	smov.u32 s20;
	[sflag:s17] =	ssyncadd.s32 $0xFFFF8000  }
.LBB2_4:
0x3f: {  	s22 =	simm.s32 $0x10100  }
0x40: {  	v0 =	vld [tilespmem:s22+$0x0];
	_ =	sdelay $0x4  }
0x41: {  	(v2sf) =	vpush v0, $0x0;
	_ =	sdelay $0x1  }
0x42: {  	(v2sf) =	vpush v0, $0x1  }
0x43: {  	(v2sf) =	vpush v0, $0xA;
	_ =	sdelay $0x1  }
0x44: {  	(v2sf) =	vpush v0, $0x2;
	_ =	sdelay $0x1  }
0x45: {  	(v2sf) =	vpush v0, $0x3;
	_ =	sdelay $0x1  }
0x46: {  	(v2sf) =	vpush v0, $0x4;
	_ =	sdelay $0x1  }
0x47: {  	s20 =	sadd.s32 s21, s11;
	(v2sf) =	vpush v0, $0x5  }
0x48: {  	s20 =	sshll.u32 s20, $0x5  }
0x49: {  	s26 =	sshll.u32 s21, $0x5;
	s20 =	sadd.s32 s20, s5;
	(v2sf) =	vpush v0, $0x6  }
0x4a: {  	[dreg:$0x3] =	wrdreg s20;
	s20 =	sadd.s32 s26, s12  }
0x4b: {  	s23 =	rddreg [dreg:$0x3];
	s24 =	sadd.s32 $0x0, s20;
	s25 =	spop (v2sf);
	(v2sf) =	vpush v0, $0x7  }
0x4c: {  	[hbm4b:s24+s3] =	stream.linear.scatter [tilespmem:s25], [sflag:$0x2], $0x100, $0x38;
	[tilespmem:$0x10180] =	vst v63  }
0x4d: {  	s24 =	sadd.s32 $0x0, s23;
	s28 =	spop (v2sf);
	(v2sf) =	vpush v0, $0x8  }
0x4e: {  	s29 =	sadd.s32 $0x20, s24;
	s26 =	spop (v2sf)  }
0x4f: {  	(v2sf) =	vpush v0, $0x9;
	[hbm4b:s29+s3] =	stream.linear.scatter [tilespmem:s28], [sflag:$0x2], $0x100, $0x38;
	[tilespmem:$0x10180] =	vst v63  }
0x50: {  	s30 =	sadd.s32 $0x40, s24;
	s31 =	spop (v2sf)  }
0x51: {  	[hbm4b:s30+s3] =	stream.linear.scatter [tilespmem:s31], [sflag:$0x2], $0x100, $0x38;
	[tilespmem:$0x10180] =	vst v63  }
0x52: {  	s28 =	sadd.s32 $0x60, s24;
	s29 =	spop (v2sf)  }
0x53: {  	(v2sf) =	vpush v0, $0xB;
	[hbm4b:s28+s3] =	stream.linear.scatter [tilespmem:s29], [sflag:$0x2], $0x100, $0x38;
	[tilespmem:$0x10180] =	vst v63  }
0x54: {  	s30 =	sadd.s32 $0x80, s24;
	s31 =	spop (v2sf)  }
0x55: {  	(v2sf) =	vpush v0, $0xC;
	[hbm4b:s30+s3] =	stream.linear.scatter [tilespmem:s31], [sflag:$0x2], $0x100, $0x38;
	[tilespmem:$0x10180] =	vst v63  }
0x56: {  	s28 =	sadd.s32 $0xA0, s24;
	s29 =	spop (v2sf)  }
0x57: {  	(v2sf) =	vpush v0, $0xD;
	[hbm4b:s28+s3] =	stream.linear.scatter [tilespmem:s29], [sflag:$0x2], $0x100, $0x38;
	[tilespmem:$0x10180] =	vst v63  }
0x58: {  	s30 =	sadd.s32 $0xC0, s24;
	s31 =	spop (v2sf)  }
0x59: {  	(v2sf) =	vpush v0, $0xE;
	[hbm4b:s30+s3] =	stream.linear.scatter [tilespmem:s31], [sflag:$0x2], $0x100, $0x38;
	[tilespmem:$0x10180] =	vst v63  }
0x5a: {  	s28 =	sadd.s32 $0xE0, s24;
	s29 =	spop (v2sf)  }
0x5b: {  	(v2sf) =	vpush v0, $0xF;
	[hbm4b:s28+s3] =	stream.linear.scatter [tilespmem:s29], [sflag:$0x2], $0x100, $0x38;
	[tilespmem:$0x10180] =	vst v63  }
0x5c: {  	s30 =	sadd.s32 $0x100, s24;
	s31 =	spop (v2sf)  }
0x5d: {  	[hbm4b:s30+s3] =	stream.linear.scatter [tilespmem:s31], [sflag:$0x2], $0x100, $0x38;
	[tilespmem:$0x10180] =	vst v63  }
0x5e: {  	s25 =	sadd.s32 $0x120, s24;
	s28 =	spop (v2sf)  }
0x5f: {  	[hbm4b:s25+s3] =	stream.linear.scatter [tilespmem:s28], [sflag:$0x2], $0x100, $0x38;
	[tilespmem:$0x10180] =	vst v63  }
0x60: {  	s29 =	sadd.s32 $0x140, s24  }
0x61: {  	[hbm4b:s29+s3] =	stream.linear.scatter [tilespmem:s26], [sflag:$0x2], $0x100, $0x38;
	[tilespmem:$0x10180] =	vst v63  }
0x62: {  	s30 =	sadd.s32 $0x160, s24;
	s31 =	spop (v2sf)  }
0x63: {  	[hbm4b:s30+s3] =	stream.linear.scatter [tilespmem:s31], [sflag:$0x2], $0x100, $0x38;
	[tilespmem:$0x10180] =	vst v63  }
0x64: {  	s25 =	sadd.s32 $0x180, s24;
	s26 =	spop (v2sf)  }
0x65: {  	[hbm4b:s25+s3] =	stream.linear.scatter [tilespmem:s26], [sflag:$0x2], $0x100, $0x38;
	[tilespmem:$0x10180] =	vst v63  }
0x66: {  	s28 =	sadd.s32 $0x1A0, s24;
	s29 =	spop (v2sf)  }
0x67: {  	[hbm4b:s28+s3] =	stream.linear.scatter [tilespmem:s29], [sflag:$0x2], $0x100, $0x38;
	[tilespmem:$0x10180] =	vst v63  }
0x68: {  	s30 =	sadd.s32 $0x1C0, s24;
	s31 =	spop (v2sf)  }
0x69: {  	[hbm4b:s30+s3] =	stream.linear.scatter [tilespmem:s31], [sflag:$0x2], $0x100, $0x38;
	[tilespmem:$0x10180] =	vst v63  }
0x6a: {  	s23 =	simm.s32 $0x200;
	s24 =	sadd.s32 $0x1E0, s24;
	s25 =	spop (v2sf)  }
.LBB2_5:
0x6b: {  	s22 =	sadd.s32 $0x10, s22  }
0x6c: {  	[hbm4b:s24+s3] =	stream.linear.scatter [tilespmem:s25], [sflag:$0x2], $0x100, $0x38;
	[tilespmem:$0x10180] =	vst v63  }
0x6d: {  	v0 =	vld [tilespmem:s22+$0x0];
	_ =	sdelay $0x4  }
0x6e: {  	(v2sf) =	vpush v0, $0x0;
	_ =	sdelay $0x1  }
0x6f: {  	(v2sf) =	vpush v0, $0x1  }
0x70: {  	(v2sf) =	vpush v0, $0xA;
	_ =	sdelay $0x1  }
0x71: {  	(v2sf) =	vpush v0, $0x2;
	_ =	sdelay $0x1  }
0x72: {  	(v2sf) =	vpush v0, $0x3;
	_ =	sdelay $0x1  }
0x73: {  	(v2sf) =	vpush v0, $0x4;
	_ =	sdelay $0x1  }
0x74: {  	(v2sf) =	vpush v0, $0x5;
	_ =	sdelay $0x1  }
0x75: {  	(v2sf) =	vpush v0, $0x6  }
0x76: {  	s26 =	smov.u32 s23  }
0x77: {  	s29 =	rddreg [dreg:$0x3];
	s30 =	sadd.s32 s26, s20;
	s28 =	spop (v2sf);
	(v2sf) =	vpush v0, $0x7  }
0x78: {  	[hbm4b:s30+s3] =	stream.linear.scatter [tilespmem:s28], [sflag:$0x2], $0x100, $0x38;
	[tilespmem:$0x10180] =	vst v63  }
0x79: {  	s24 =	sadd.s32 s26, s29;
	s31 =	spop (v2sf);
	(v2sf) =	vpush v0, $0x8  }
0x7a: {  	s26 =	sadd.s32 $0x20, s24;
	s29 =	spop (v2sf)  }
0x7b: {  	(v2sf) =	vpush v0, $0x9;
	[hbm4b:s26+s3] =	stream.linear.scatter [tilespmem:s31], [sflag:$0x2], $0x100, $0x38;
	[tilespmem:$0x10180] =	vst v63  }
0x7c: {  	s30 =	sadd.s32 $0x40, s24;
	s31 =	spop (v2sf)  }
0x7d: {  	[hbm4b:s30+s3] =	stream.linear.scatter [tilespmem:s31], [sflag:$0x2], $0x100, $0x38;
	[tilespmem:$0x10180] =	vst v63  }
0x7e: {  	s25 =	sadd.s32 $0x60, s24;
	s30 =	spop (v2sf)  }
0x7f: {  	(v2sf) =	vpush v0, $0xB;
	[hbm4b:s25+s3] =	stream.linear.scatter [tilespmem:s30], [sflag:$0x2], $0x100, $0x38;
	[tilespmem:$0x10180] =	vst v63  }
0x80: {  	s26 =	sadd.s32 $0x80, s24;
	s31 =	spop (v2sf)  }
0x81: {  	(v2sf) =	vpush v0, $0xC;
	[hbm4b:s26+s3] =	stream.linear.scatter [tilespmem:s31], [sflag:$0x2], $0x100, $0x38;
	[tilespmem:$0x10180] =	vst v63  }
0x82: {  	s25 =	sadd.s32 $0xA0, s24;
	s30 =	spop (v2sf)  }
0x83: {  	(v2sf) =	vpush v0, $0xD;
	[hbm4b:s25+s3] =	stream.linear.scatter [tilespmem:s30], [sflag:$0x2], $0x100, $0x38;
	[tilespmem:$0x10180] =	vst v63  }
0x84: {  	(v2sf) =	vpush v0, $0xE;
	s26 =	sadd.s32 $0xC0, s24;
	s31 =	spop (v2sf)  }
0x85: {  	[hbm4b:s26+s3] =	stream.linear.scatter [tilespmem:s31], [sflag:$0x2], $0x100, $0x38;
	[tilespmem:$0x10180] =	vst v63  }
0x86: {  	(v2sf) =	vpush v0, $0xF;
	s25 =	sadd.s32 $0xE0, s24;
	s30 =	spop (v2sf)  }
0x87: {  	[hbm4b:s25+s3] =	stream.linear.scatter [tilespmem:s30], [sflag:$0x2], $0x100, $0x38;
	[tilespmem:$0x10180] =	vst v63  }
0x88: {  	s26 =	sadd.s32 $0x100, s24;
	s31 =	spop (v2sf)  }
0x89: {  	[hbm4b:s26+s3] =	stream.linear.scatter [tilespmem:s31], [sflag:$0x2], $0x100, $0x38;
	[tilespmem:$0x10180] =	vst v63  }
0x8a: {  	s25 =	sadd.s32 $0x120, s24;
	s31 =	spop (v2sf)  }
0x8b: {  	[hbm4b:s25+s3] =	stream.linear.scatter [tilespmem:s31], [sflag:$0x2], $0x100, $0x38;
	[tilespmem:$0x10180] =	vst v63  }
0x8c: {  	s30 =	sadd.s32 $0x140, s24  }
0x8d: {  	[hbm4b:s30+s3] =	stream.linear.scatter [tilespmem:s29], [sflag:$0x2], $0x100, $0x38;
	[tilespmem:$0x10180] =	vst v63  }
0x8e: {  	s28 =	spop (v2sf);
	s25 =	sadd.s32 $0x160, s24  }
0x8f: {  	[hbm4b:s25+s3] =	stream.linear.scatter [tilespmem:s28], [sflag:$0x2], $0x100, $0x38;
	[tilespmem:$0x10180] =	vst v63  }
0x90: {  	p1 =	sne.s32 s23, $0xE00;
	s31 =	spop (v2sf);
	s30 =	sadd.s32 $0x180, s24  }
0x91: {  	[hbm4b:s30+s3] =	stream.linear.scatter [tilespmem:s31], [sflag:$0x2], $0x100, $0x38;
	[tilespmem:$0x10180] =	vst v63  }
.Ltmp1:
0x92: {  	s28 =	spop (v2sf);
	(pc) =	sbr.rel @p1 .LBB2_5-.Ltmp1, $4  }
0x93: {  	s23 =	sadd.s32 $0x200, s23;
	s25 =	sadd.s32 $0x1A0, s24;
	s31 =	spop (v2sf)  }
0x94: {  	[hbm4b:s25+s3] =	stream.linear.scatter [tilespmem:s28], [sflag:$0x2], $0x100, $0x38;
	[tilespmem:$0x10180] =	vst v63  }
0x95: {  	s30 =	sadd.s32 $0x1C0, s24;
	s24 =	sadd.s32 $0x1E0, s24;
	s25 =	spop (v2sf)  }
0x96: {  	[hbm4b:s30+s3] =	stream.linear.scatter [tilespmem:s31], [sflag:$0x2], $0x100, $0x38;
	[tilespmem:$0x10180] =	vst v63  }
0x97: {  	[hbm4b:s24+s3] =	stream.linear.scatter [tilespmem:s25], [sflag:$0x2], $0x100, $0x38;
	[tilespmem:$0x10180] =	vst v63  }
0x98: {  	_ =	swait.ge [sflag:s16], $0x80  }
0x99: {  	[sflag:s16] =	ssyncset.done $0x0  }
0x9a: {  	[sflag:s16] =	ssyncadd.s32 $0xFFFFFF80  }
0x9b: {  	v0 =	vld [tilespmem:$0x10080]  }
0x9c: {  	v1 =	vld [tilespmem:$0x10090]  }
0x9d: {  	v2 =	vld [tilespmem:$0x100A0]  }
0x9e: {  	v3 =	vld [tilespmem:$0x100B0]  }
0x9f: {  	v4 =	vld [tilespmem:$0x100C0]  }
0xa0: {  	v5 =	vld [tilespmem:$0x100D0]  }
0xa1: {  	v6 =	vld [tilespmem:$0x100E0]  }
0xa2: {  	v7 =	vld [tilespmem:$0x100F0]  }
0xa3: {  	v0 =	vadd.f32 $-5.000000000e+01, v0;
	v1 =	vadd.f32 $-5.000000000e+01, v1  }
0xa4: {  	v2 =	vadd.f32 $-5.000000000e+01, v2;
	v3 =	vadd.f32 $-5.000000000e+01, v3  }
0xa5: {  	v4 =	vadd.f32 $-5.000000000e+01, v4;
	v5 =	vadd.f32 $-5.000000000e+01, v5;
	v0 =	vmul.f32 $2.857142830e-03, v0  }
0xa6: {  	v6 =	vadd.f32 $-5.000000000e+01, v6;
	v1 =	vmul.f32 $2.857142830e-03, v1;
	v2 =	vmul.f32 $2.857142830e-03, v2  }
0xa7: {  	v7 =	vadd.f32 $-5.000000000e+01, v7;
	v3 =	vmul.f32 $2.857142830e-03, v3;
	v4 =	vmul.f32 $2.857142830e-03, v4  }
0xa8: {  	v5 =	vmul.f32 $2.857142830e-03, v5;
	v6 =	vmul.f32 $2.857142830e-03, v6  }
0xa9: {  	v7 =	vmul.f32 $2.857142830e-03, v7;
	v0 =	vmax.f32 v0, $0.0e+00;
	v1 =	vmax.f32 v1, $0.0e+00  }
0xaa: {  	v2 =	vmax.f32 v2, $0.0e+00;
	v3 =	vmax.f32 v3, $0.0e+00;
	v4 =	vmax.f32 v4, $0.0e+00  }
0xab: {  	v5 =	vmax.f32 v5, $0.0e+00;
	v6 =	vmax.f32 v6, $0.0e+00;
	v7 =	vmax.f32 v7, $0.0e+00  }
0xac: {  	v0 =	vmin.f32 v0, $1.000000000e+00;
	v1 =	vmin.f32 v1, $1.000000000e+00;
	v2 =	vmin.f32 v2, $1.000000000e+00  }
0xad: {  	v3 =	vmin.f32 v3, $1.000000000e+00;
	v4 =	vmin.f32 v4, $1.000000000e+00;
	v0 =	vmul.f32 $2.550000000e+02, v0  }
0xae: {  	v5 =	vmin.f32 v5, $1.000000000e+00;
	v1 =	vmul.f32 $2.550000000e+02, v1;
	v2 =	vmul.f32 $2.550000000e+02, v2  }
0xaf: {  	v6 =	vmin.f32 v6, $1.000000000e+00;
	v3 =	vmul.f32 $2.550000000e+02, v3;
	v4 =	vmul.f32 $2.550000000e+02, v4  }
0xb0: {  	v51 =	vmin.f32 v7, $1.000000000e+00;
	v5 =	vmul.f32 $2.550000000e+02, v5;
	v50 =	vmul.f32 $2.550000000e+02, v6  }
0xb1: {  	v54 =	vmul.f32 $2.550000000e+02, v51;
	v0 =	vtrunc.f32 v0  }
0xb2: {  	v1 =	vtrunc.f32 v1;
	v0 =	vcvt.f32.s32 v0  }
0xb3: {  	v2 =	vtrunc.f32 v2;
	v1 =	vcvt.f32.s32 v1  }
0xb4: {  	v3 =	vtrunc.f32 v3;
	v2 =	vcvt.f32.s32 v2;
	v0 =	vshll.u32 v0, $0x8  }
0xb5: {  	v56 =	vtrunc.f32 v50;
	v3 =	vcvt.f32.s32 v3;
	v1 =	vshll.u32 v1, $0x8;
	[tilespmem:$0x10100] =	vst v0  }
0xb6: {  	v58 =	vtrunc.f32 v54;
	v57 =	vcvt.f32.s32 v56;
	v52 =	vshll.u32 v2, $0x8;
	[tilespmem:$0x10110] =	vst v1  }
0xb7: {  	v4 =	vtrunc.f32 v4;
	v60 =	vcvt.f32.s32 v58;
	v55 =	vshll.u32 v3, $0x8;
	[tilespmem:$0x10120] =	vst v52  }
0xb8: {  	v53 =	vtrunc.f32 v5;
	v49 =	vcvt.f32.s32 v4;
	v61 =	vshll.u32 v57, $0x8;
	[tilespmem:$0x10130] =	vst v55  }
0xb9: {  	v2 =	vcvt.f32.s32 v53;
	v62 =	vshll.u32 v60, $0x8;
	[tilespmem:$0x10160] =	vst v61  }
0xba: {  	s21 =	sadd.s32 @!p0 s21, s9;
	v0 =	vshll.u32 v49, $0x8;
	[tilespmem:$0x10170] =	vst v62  }
0xbb: {  	s21 =	sshrl.u32 @!p0 s21, $0x3;
	[tilespmem:$0x10140] =	vst v0;
	v59 =	vshll.u32 v2, $0x8  }
0xbc: {  	s22 =	simm.s32 @!p0 $0x0;
	s23 =	simm.s32 @!p0 $0x10080;
	s21 =	sadd.s32 @!p0 s2, s21;
	[tilespmem:$0x10150] =	vst v59  }
0xbd: {  	[tilespmem:s23], [sflag:$0x1] =	stream.linear.gather @!p0 [hbm4b:s21+s22], $0x80, $0x38;
	[tilespmem:$0x10180] =	vst v63  }
0xbe: {  	_ =	swait.ge [sflag:s17], $0x8000  }
0xbf: {  	[sflag:s17] =	ssyncset.done $0x0  }
0xc0: {  	s24 =	simm.s32 $0x10100;
	[sflag:s17] =	ssyncadd.s32 $0xFFFF8000  }
0xc1: {  	v63 =	vld [tilespmem:s24+$0x0];
	_ =	sdelay $0x4  }
0xc2: {  	(v2sf) =	vpush v63, $0x0;
	_ =	sdelay $0x1  }
0xc3: {  	(v2sf) =	vpush v63, $0x1;
	_ =	sdelay $0x1  }
0xc4: {  	(v2sf) =	vpush v63, $0x2;
	_ =	sdelay $0x1  }
0xc5: {  	(v2sf) =	vpush v63, $0x3;
	_ =	sdelay $0x1  }
0xc6: {  	(v2sf) =	vpush v63, $0x4;
	_ =	sdelay $0x1  }
0xc7: {  	(v2sf) =	vpush v63, $0x5;
	_ =	sdelay $0x1  }
0xc8: {  	(v2sf) =	vpush v63, $0x6;
	_ =	sdelay $0x1  }
0xc9: {  	s22 =	sadd.s32 $0x0, s20;
	(v2sf) =	vpush v63, $0x7  }
0xca: {  	s25 =	sadd.s32 $0x1000, s22;
	s26 =	spop (v2sf)  }
0xcb: {  	(v2sf) =	vpush v63, $0x8;
	[hbm4b:s25+s3] =	stream.linear.scatter [tilespmem:s26], [sflag:$0x2], $0x100, $0x38;
	[tilespmem:$0x10180] =	vst v63  }
0xcc: {  	s28 =	sadd.s32 $0x1020, s22;
	s29 =	spop (v2sf);
	(v2sf) =	vpush v63, $0x9  }
0xcd: {  	[hbm4b:s28+s3] =	stream.linear.scatter [tilespmem:s29], [sflag:$0x2], $0x100, $0x38;
	[tilespmem:$0x10180] =	vst v63  }
0xce: {  	s30 =	sadd.s32 $0x1040, s22;
	s31 =	spop (v2sf);
	(v2sf) =	vpush v63, $0xA  }
0xcf: {  	[hbm4b:s30+s3] =	stream.linear.scatter [tilespmem:s31], [sflag:$0x2], $0x100, $0x38;
	[tilespmem:$0x10180] =	vst v63  }
0xd0: {  	s23 =	sadd.s32 $0x1060, s22;
	s24 =	spop (v2sf);
	(v2sf) =	vpush v63, $0xB  }
0xd1: {  	[hbm4b:s23+s3] =	stream.linear.scatter [tilespmem:s24], [sflag:$0x2], $0x100, $0x38;
	[tilespmem:$0x10180] =	vst v63  }
0xd2: {  	s25 =	sadd.s32 $0x1080, s22;
	s26 =	spop (v2sf);
	(v2sf) =	vpush v63, $0xC  }
0xd3: {  	[hbm4b:s25+s3] =	stream.linear.scatter [tilespmem:s26], [sflag:$0x2], $0x100, $0x38;
	[tilespmem:$0x10180] =	vst v63  }
0xd4: {  	s28 =	sadd.s32 $0x10A0, s22;
	s29 =	spop (v2sf);
	(v2sf) =	vpush v63, $0xD  }
0xd5: {  	[hbm4b:s28+s3] =	stream.linear.scatter [tilespmem:s29], [sflag:$0x2], $0x100, $0x38;
	[tilespmem:$0x10180] =	vst v63  }
0xd6: {  	s30 =	sadd.s32 $0x10C0, s22;
	s31 =	spop (v2sf);
	(v2sf) =	vpush v63, $0xE  }
0xd7: {  	[hbm4b:s30+s3] =	stream.linear.scatter [tilespmem:s31], [sflag:$0x2], $0x100, $0x38;
	[tilespmem:$0x10180] =	vst v63  }
0xd8: {  	s23 =	sadd.s32 $0x10E0, s22;
	s24 =	spop (v2sf);
	(v2sf) =	vpush v63, $0xF  }
0xd9: {  	[hbm4b:s23+s3] =	stream.linear.scatter [tilespmem:s24], [sflag:$0x2], $0x100, $0x38;
	[tilespmem:$0x10180] =	vst v63  }
0xda: {  	s26 =	spop (v2sf)  }
0xdb: {  	s25 =	sadd.s32 $0x1100, s22;
	s29 =	spop (v2sf)  }
0xdc: {  	[hbm4b:s25+s3] =	stream.linear.scatter [tilespmem:s26], [sflag:$0x2], $0x100, $0x38;
	[tilespmem:$0x10180] =	vst v63  }
0xdd: {  	s28 =	sadd.s32 $0x1120, s22;
	s31 =	spop (v2sf)  }
0xde: {  	[hbm4b:s28+s3] =	stream.linear.scatter [tilespmem:s29], [sflag:$0x2], $0x100, $0x38;
	[tilespmem:$0x10180] =	vst v63  }
0xdf: {  	s30 =	sadd.s32 $0x1140, s22;
	s24 =	spop (v2sf)  }
0xe0: {  	[hbm4b:s30+s3] =	stream.linear.scatter [tilespmem:s31], [sflag:$0x2], $0x100, $0x38;
	[tilespmem:$0x10180] =	vst v63  }
0xe1: {  	s23 =	sadd.s32 $0x1160, s22;
	s26 =	spop (v2sf)  }
0xe2: {  	[hbm4b:s23+s3] =	stream.linear.scatter [tilespmem:s24], [sflag:$0x2], $0x100, $0x38;
	[tilespmem:$0x10180] =	vst v63  }
0xe3: {  	s21 =	simm.s32 $0x200;
	s25 =	sadd.s32 $0x1180, s22;
	s29 =	spop (v2sf)  }
0xe4: {  	[hbm4b:s25+s3] =	stream.linear.scatter [tilespmem:s26], [sflag:$0x2], $0x100, $0x38;
	[tilespmem:$0x10180] =	vst v63  }
0xe5: {  	s28 =	sadd.s32 $0x11A0, s22;
	s30 =	sadd.s32 $0x11C0, s22;
	s31 =	spop (v2sf)  }
0xe6: {  	[hbm4b:s28+s3] =	stream.linear.scatter [tilespmem:s29], [sflag:$0x2], $0x100, $0x38;
	[tilespmem:$0x10180] =	vst v63  }
0xe7: {  	s23 =	sadd.s32 $0x11E0, s22;
	s22 =	simm.s32 $0x10110;
	s24 =	spop (v2sf)  }
0xe8: {  	[hbm4b:s30+s3] =	stream.linear.scatter [tilespmem:s31], [sflag:$0x2], $0x100, $0x38;
	[tilespmem:$0x10180] =	vst v63  }
.LBB2_7:
0xe9: {  	[hbm4b:s23+s3] =	stream.linear.scatter [tilespmem:s24], [sflag:$0x2], $0x100, $0x38;
	[tilespmem:$0x10180] =	vst v63  }
0xea: {  	p0 =	sne.s32 s21, $0xE00;
	s23 =	smov.u32 s21;
	s21 =	sadd.s32 $0x200, s21;
	v0 =	vld [tilespmem:s22+$0x0]  }
0xeb: {  	_ =	sdelay $0x3  }
0xec: {  	(v2sf) =	vpush v0, $0x0;
	_ =	sdelay $0x1  }
0xed: {  	(v2sf) =	vpush v0, $0x1;
	_ =	sdelay $0x1  }
0xee: {  	(v2sf) =	vpush v0, $0x2;
	_ =	sdelay $0x1  }
0xef: {  	(v2sf) =	vpush v0, $0x3;
	_ =	sdelay $0x1  }
0xf0: {  	(v2sf) =	vpush v0, $0x4;
	_ =	sdelay $0x1  }
0xf1: {  	(v2sf) =	vpush v0, $0x5;
	_ =	sdelay $0x1  }
0xf2: {  	(v2sf) =	vpush v0, $0x6;
	_ =	sdelay $0x1  }
0xf3: {  	s23 =	sadd.s32 s23, s20;
	(v2sf) =	vpush v0, $0x7  }
0xf4: {  	s24 =	sadd.s32 $0x1000, s23;
	s25 =	spop (v2sf)  }
0xf5: {  	[hbm4b:s24+s3] =	stream.linear.scatter [tilespmem:s25], [sflag:$0x2], $0x100, $0x38;
	(v2sf) =	vpush v0, $0x8;
	[tilespmem:$0x10180] =	vst v63  }
0xf6: {  	s24 =	sadd.s32 $0x1020, s23;
	s25 =	spop (v2sf)  }
0xf7: {  	[hbm4b:s24+s3] =	stream.linear.scatter [tilespmem:s25], [sflag:$0x2], $0x100, $0x38;
	(v2sf) =	vpush v0, $0x9;
	[tilespmem:$0x10180] =	vst v63  }
0xf8: {  	s24 =	sadd.s32 $0x1040, s23;
	s25 =	spop (v2sf)  }
0xf9: {  	[hbm4b:s24+s3] =	stream.linear.scatter [tilespmem:s25], [sflag:$0x2], $0x100, $0x38;
	(v2sf) =	vpush v0, $0xA;
	[tilespmem:$0x10180] =	vst v63  }
0xfa: {  	s24 =	sadd.s32 $0x1060, s23;
	s25 =	spop (v2sf)  }
0xfb: {  	[hbm4b:s24+s3] =	stream.linear.scatter [tilespmem:s25], [sflag:$0x2], $0x100, $0x38;
	(v2sf) =	vpush v0, $0xB;
	[tilespmem:$0x10180] =	vst v63  }
0xfc: {  	s24 =	sadd.s32 $0x1080, s23;
	s25 =	spop (v2sf)  }
0xfd: {  	[hbm4b:s24+s3] =	stream.linear.scatter [tilespmem:s25], [sflag:$0x2], $0x100, $0x38;
	(v2sf) =	vpush v0, $0xC;
	[tilespmem:$0x10180] =	vst v63  }
0xfe: {  	s24 =	sadd.s32 $0x10A0, s23;
	s25 =	spop (v2sf)  }
0xff: {  	[hbm4b:s24+s3] =	stream.linear.scatter [tilespmem:s25], [sflag:$0x2], $0x100, $0x38;
	(v2sf) =	vpush v0, $0xD;
	[tilespmem:$0x10180] =	vst v63  }
0x100: {  	s24 =	sadd.s32 $0x10C0, s23;
	s25 =	spop (v2sf)  }
0x101: {  	[hbm4b:s24+s3] =	stream.linear.scatter [tilespmem:s25], [sflag:$0x2], $0x100, $0x38;
	(v2sf) =	vpush v0, $0xE;
	[tilespmem:$0x10180] =	vst v63  }
0x102: {  	s24 =	sadd.s32 $0x10E0, s23;
	s25 =	spop (v2sf)  }
0x103: {  	[hbm4b:s24+s3] =	stream.linear.scatter [tilespmem:s25], [sflag:$0x2], $0x100, $0x38;
	(v2sf) =	vpush v0, $0xF;
	[tilespmem:$0x10180] =	vst v63  }
0x104: {  	s24 =	sadd.s32 $0x1100, s23;
	s25 =	spop (v2sf)  }
0x105: {  	[hbm4b:s24+s3] =	stream.linear.scatter [tilespmem:s25], [sflag:$0x2], $0x100, $0x38;
	[tilespmem:$0x10180] =	vst v63  }
0x106: {  	s24 =	sadd.s32 $0x1120, s23;
	s25 =	spop (v2sf)  }
0x107: {  	[hbm4b:s24+s3] =	stream.linear.scatter [tilespmem:s25], [sflag:$0x2], $0x100, $0x38;
	[tilespmem:$0x10180] =	vst v63  }
0x108: {  	s24 =	sadd.s32 $0x1140, s23;
	s25 =	spop (v2sf)  }
0x109: {  	[hbm4b:s24+s3] =	stream.linear.scatter [tilespmem:s25], [sflag:$0x2], $0x100, $0x38;
	[tilespmem:$0x10180] =	vst v63  }
0x10a: {  	s24 =	sadd.s32 $0x1160, s23;
	s25 =	spop (v2sf)  }
0x10b: {  	[hbm4b:s24+s3] =	stream.linear.scatter [tilespmem:s25], [sflag:$0x2], $0x100, $0x38;
	[tilespmem:$0x10180] =	vst v63  }
0x10c: {  	s24 =	sadd.s32 $0x1180, s23;
	s25 =	spop (v2sf)  }
0x10d: {  	[hbm4b:s24+s3] =	stream.linear.scatter [tilespmem:s25], [sflag:$0x2], $0x100, $0x38;
	[tilespmem:$0x10180] =	vst v63  }
.Ltmp2:
0x10e: {  	s24 =	sadd.s32 $0x11A0, s23;
	s25 =	spop (v2sf);
	(pc) =	sbr.rel @p0 .LBB2_7-.Ltmp2, $4  }
0x10f: {  	[hbm4b:s24+s3] =	stream.linear.scatter [tilespmem:s25], [sflag:$0x2], $0x100, $0x38;
	[tilespmem:$0x10180] =	vst v63  }
0x110: {  	s24 =	sadd.s32 $0x11C0, s23;
	s25 =	spop (v2sf)  }
0x111: {  	[hbm4b:s24+s3] =	stream.linear.scatter [tilespmem:s25], [sflag:$0x2], $0x100, $0x38;
	[tilespmem:$0x10180] =	vst v63  }
0x112: {  	s22 =	sadd.s32 $0x10, s22;
	s23 =	sadd.s32 $0x11E0, s23;
	s24 =	spop (v2sf)  }
0x113: {  	s19 =	sadd.s32 $0x1, s19  }
0x114: {  	p0 =	sne.s32 s19, $0x64  }
.Ltmp3:
0x115: {  	_ = 	snop;
	(pc) =	sbr.rel @p0 .LBB2_2-.Ltmp3, $2  }
0x116: {  	_ =	sdelay $0x2  }
0x117: {  	[hbm4b:s23+s3] =	stream.linear.scatter [tilespmem:s24], [sflag:$0x2], $0x100, $0x38;
	[tilespmem:$0x10180] =	vst v63  }
0x118: {  	s18 =	sadd.s32 $0x1, s18  }
0x119: {  	p0 =	sne.s32 s18, s10  }
.Ltmp4:
0x11a: {  	_ = 	snop;
	(pc) =	sbr.rel @p0 .LBB2_1-.Ltmp4, $4  }
0x11b: {  	_ = 	snop  }
0x11c: {  	_ =	swait.ge [sflag:s17], $0x8000  }
0x11d: {  	[sflag:s17] =	ssyncset.done $0x0  }
0x11e: {  	[sflag:s17] =	ssyncadd.s32 $0xFFFF8000  }
0x11f: {  	_ =	sfence.sel $0x180000  }
0x120: {  	[bflag:$0x0] =	sbarrier.arrive $0xFFFF  }
0x121: {  	p0 =	sne.s32 s1, $0x0;
	_ =	strace $0x90000047  }
0x122: {  	s0 =	sadd.s32 @!p0 $0x100000, s0;
	[bflag:$0x2] =	sbarrier.arrive $0xFFFF  }
0x123: {  	[sflag:s0] =	ssyncadd.tile.s32 @!p0 $0x1;
	_ =	shalt  }
.Lfunc_end2:
_tile_overlayer_lowered:
.L_overlay_start_2:
0x124: {  	(tag) =	ssettag $0x2  }
0x125: {  	s0 =	rddreg [dreg:$0x0];
	s2 =	stileid.u32  }
0x126: {  	s1 =	rddreg [dreg:$0x1];
	p0 =	sne.s32 s2, $0x0  }
0x127: {  	s3 =	rddreg [dreg:$0x2];
	[bflag:$0x3] =	sbarrier.arrive $0xFFFF;
	s2 =	simm.s32 @!p0 $0x1C03  }
0x128: {  	[timem:s3], [sflag:s2] =	dma.local @!p0 [hbm:s0], s1  }
0x129: {  	s0 =	simm.s32 @!p0 $0x3  }
0x12a: {  	_ =	swait.ge @!p0 [sflag:s0], s1  }
0x12b: {  	s1 =	ssub.s32 @!p0 $0x0, s1;
	[sflag:s0] =	ssyncset.done @!p0 $0x0  }
0x12c: {  	[sflag:s0] =	ssyncadd.s32 @!p0 s1  }
0x12d: {  	[bflag:$0x3] =	sbarrier.arrive $0xFFFF  }
0x12e: {  	_ =	shalt  }

</sc_bundles>
